<compile_context>
chip_gen: v7x
topology: tpu7x:2x2x1
jax: 0.10.2.dev20260603
libtpu: 0.0.44.dev20260713+nightly
codegen_flags: <defaults>
</compile_context>

<pallas_src>
import functools

import jax
import jax.numpy as jnp
from jax import lax
from jax.experimental import pallas as pl
from jax.experimental.pallas import tpu as pltpu
from jax.experimental.pallas import tpu_sc as plsc

_LANES = 16
_IDX_CHUNK = 128
_COLS = 16384
_SB = 4096
_WIDE = 128


@functools.cache
def _make_transpose(V, E):
    grp = _WIDE // E
    grid = -(-V // _COLS)
    assert _COLS // grp == _SB

    def body(i_ref, o_ref):
        x = i_ref[...]
        z = jnp.concatenate(
            [x[:, q * _SB:(q + 1) * _SB] for q in range(grp)], axis=0)
        o_ref[...] = z.T

    return pl.pallas_call(
        body,
        grid=(grid,),
        in_specs=[pl.BlockSpec((E, _COLS), lambda g: (0, g))],
        out_specs=pl.BlockSpec((_SB, _WIDE), lambda g: (g, 0)),
        out_shape=jax.ShapeDtypeStruct((grid * _SB, _WIDE), jnp.float32),
    )


@functools.cache
def _make_pool(B, H, V, E, vpad):
    info = plsc.get_sparse_core_info()
    nc, ns = info.num_cores, info.num_subcores
    nw = nc * ns
    bpw = B // nw
    grp = _WIDE // E
    assert B % nw == 0 and E % _LANES == 0
    chunks = [(o, min(_IDX_CHUNK, H - o)) for o in range(0, H, _IDX_CHUNK)]
    goffs = list(range(0, H - _LANES + 1, _LANES))
    if H % _LANES:
        goffs.append(H - _LANES)
    mesh = plsc.VectorSubcoreMesh(core_axis_name="c", subcore_axis_name="s")
    ne = E // _LANES
    P = 8
    cols_sh = _COLS.bit_length() - 1
    sb_sh = _SB.bit_length() - 1
    grp_sh = grp.bit_length() - 1

    def body(table_hbm, text_hbm, out_hbm, txt_v, idx_v, rows0_v, rows1_v,
             pooled_v, sem0, sem1):
        wid = lax.axis_index("s") * nc + lax.axis_index("c")
        base = wid * bpw
        pltpu.sync_copy(text_hbm.at[pl.ds(base, bpw), :], txt_v)

        def xform(i, carry):
            for o in goffs:
                v = txt_v[i, pl.ds(o, _LANES)]
                a = (v >> cols_sh) << sb_sh
                bb = v & (_SB - 1)
                c = (v >> sb_sh) & (grp - 1)
                idx_v[i, pl.ds(o, _LANES)] = ((a + bb) << grp_sh) + c
            return carry

        lax.fori_loop(0, bpw, xform, 0)

        def issue(i, buf, sem):
            for (o, n) in chunks:
                pltpu.async_copy(
                    table_hbm.at[idx_v.at[i, pl.ds(o, n)]],
                    buf.at[pl.ds(o, n)], sem)

        def drain(i, buf, sem):
            for (o, n) in chunks:
                pltpu.make_async_copy(
                    table_hbm.at[idx_v.at[i, pl.ds(o, n)]],
                    buf.at[pl.ds(o, n)], sem).wait()

        def reduce_into(buf, i):
            def red(jj, accs):
                out = []
                for p in range(P):
                    j = jj * P + p
                    out.append(tuple(
                        accs[p][k] + buf[j, pl.ds(k * _LANES, _LANES)]
                        for k in range(ne)))
                return tuple(out)

            zeros = tuple(
                tuple(jnp.zeros((_LANES,), jnp.float32) for _ in range(ne))
                for _ in range(P))
            accs = lax.fori_loop(0, H // P, red, zeros)
            rem = tuple(accs[0][k] for k in range(ne))
            for p in range(1, P):
                rem = tuple(rem[k] + accs[p][k] for k in range(ne))
            for j in range((H // P) * P, H):
                rem = tuple(rem[k] + buf[j, pl.ds(k * _LANES, _LANES)]
                            for k in range(ne))
            for k in range(ne):
                pooled_v[i, pl.ds(k * _LANES, _LANES)] = rem[k]

        issue(0, rows0_v, sem0)

        def pair_step(ii, carry):
            a = 2 * ii
            issue(a + 1, rows1_v, sem1)
            drain(a, rows0_v, sem0)
            reduce_into(rows0_v, a)
            issue(a + 2, rows0_v, sem0)
            drain(a + 1, rows1_v, sem1)
            reduce_into(rows1_v, a + 1)
            return carry

        lax.fori_loop(0, bpw // 2 - 1, pair_step, 0)
        a = bpw - 2
        issue(a + 1, rows1_v, sem1)
        drain(a, rows0_v, sem0)
        reduce_into(rows0_v, a)
        drain(a + 1, rows1_v, sem1)
        reduce_into(rows1_v, a + 1)

        pltpu.sync_copy(pooled_v, out_hbm.at[pl.ds(base, bpw), :])

    return pl.kernel(
        body,
        out_type=jax.ShapeDtypeStruct((B, E), jnp.float32),
        mesh=mesh,
        compiler_params=pltpu.CompilerParams(use_tc_tiling_on_sc=False),
        scratch_types=[
            pltpu.VMEM((bpw, H), jnp.int32),
            pltpu.VMEM((bpw, H), jnp.int32),
            pltpu.VMEM((H, E), jnp.float32),
            pltpu.VMEM((H, E), jnp.float32),
            pltpu.VMEM((bpw, E), jnp.float32),
            pltpu.SemaphoreType.DMA,
            pltpu.SemaphoreType.DMA,
        ],
    )


@functools.cache
def _make_dense(B, H, E, A, O):
    grid = 8
    bt = B // grid

    def body(p_ref, a_ref, w1_ref, w2_ref, b_ref, o_ref):
        t = p_ref[...] * (1.0 / H)
        a = a_ref[...]
        m = jnp.maximum(jnp.max(t, axis=1, keepdims=True),
                        jnp.max(a, axis=1, keepdims=True))
        et = jnp.exp(t - m)
        ea = jnp.exp(a - m)
        s = (jnp.sum(et, axis=1, keepdims=True)
             + jnp.sum(ea, axis=1, keepdims=True))
        acc = jnp.dot(et, w1_ref[...], preferred_element_type=jnp.float32)
        acc = acc + jnp.dot(ea, w2_ref[...], preferred_element_type=jnp.float32)
        o_ref[...] = acc / s + b_ref[...]

    return pl.pallas_call(
        body,
        grid=(grid,),
        in_specs=[
            pl.BlockSpec((bt, E), lambda i: (i, 0)),
            pl.BlockSpec((bt, A), lambda i: (i, 0)),
            pl.BlockSpec((E, O), lambda i: (0, 0)),
            pl.BlockSpec((A, O), lambda i: (0, 0)),
            pl.BlockSpec((1, O), lambda i: (0, 0)),
        ],
        out_specs=pl.BlockSpec((bt, O), lambda i: (i, 0)),
        out_shape=jax.ShapeDtypeStruct((B, O), jnp.float32),
    )


@jax.jit
def kernel(text, audio, table, W, b):
    B, H = text.shape
    V, E = table.shape
    A = audio.shape[1]
    O = W.shape[1]
    tablerm = _make_transpose(V, E)(table.T)
    vpad = tablerm.shape[0] * (_WIDE // E)
    pooled = _make_pool(B, H, V, E, vpad)(tablerm.reshape(vpad, E), text)
    return _make_dense(B, H, E, A, O)(
        pooled, audio, W[:E], W[E:], b.reshape(1, O))

# --- scband reference (transcript-rebuilt; emitter-appended) ---
"""Pipeline reference for scband-model-45011257262091 (READ-ONLY COPY).

The authoritative reference and input builder live on the scoring server;
editing this copy changes nothing except your own understanding.
"""

import jax, jax.numpy as jnp
import numpy as np

VOCAB = 1000000
EMBED_DIM = 32
AUDIO_DIM = 128
OUT_DIM = 64
BATCH = 4096
HIST = 200


def setup_inputs(seed: int = 0) -> dict:
    key = jax.random.key(seed)
    k1, k2, k3, k4, k5 = jax.random.split(key, 5)
    text = jax.random.randint(k1, (BATCH, HIST), 0, VOCAB, dtype=jnp.int64 if jax.config.jax_enable_x64 else jnp.int32).astype(jnp.int32)
    audio = jax.random.normal(k2, (BATCH, AUDIO_DIM), dtype=jnp.float32)
    table = jax.random.normal(k3, (VOCAB, EMBED_DIM), dtype=jnp.float32) * 0.02
    W = jax.random.normal(k4, (EMBED_DIM + AUDIO_DIM, OUT_DIM), dtype=jnp.float32) * 0.02
    b = jnp.zeros((OUT_DIM,), dtype=jnp.float32)
    return {"text": text, "audio": audio, "table": table, "W": W, "b": b}


def reference(text, audio, table, W, b):
    # embedding lookup (SparseCore gather)
    embedded = jnp.take(table, text, axis=0)            # [B, L, E]
    # text_model stub: mean-pool over sequence
    result_text = jnp.mean(embedded, axis=1)             # [B, E]
    # audio_model stub: identity
    result_audio = audio                                  # [B, A]
    out = jnp.concatenate([result_text, result_audio], axis=-1)  # [B, E+A]
    out = jax.nn.softmax(out, axis=-1)
    return out @ W + b                                    # [B, OUT_DIM]

if __name__ == "__main__":
    import jax
    _d = setup_inputs()
    print(jax.jit(kernel)(*tuple(_d.values())))

</pallas_src>

<mosaic_0001>
#map = affine_map<(d0, d1) -> (0, 0)>
module attributes {stable_mosaic.version = 14 : i64} {
  func.func @body(%arg0: i32, %arg1: i32, %arg2: memref<1015808x32xf32, #tpu.memory_space<hbm>>, %arg3: memref<4096x200xi32, #tpu.memory_space<hbm>>, %arg4: memref<4096x32xf32, #tpu.memory_space<hbm>>, %arg5: memref<128x200xi32, #tpu.memory_space<vmem>>, %arg6: memref<128x200xi32, #tpu.memory_space<vmem>>, %arg7: memref<200x32xf32, #tpu.memory_space<vmem>>, %arg8: memref<200x32xf32, #tpu.memory_space<vmem>>, %arg9: memref<128x32xf32, #tpu.memory_space<vmem>>, %arg10: memref<!tpu.dma_semaphore, #tpu.memory_space<semaphore_mem>>, %arg11: memref<!tpu.dma_semaphore, #tpu.memory_space<semaphore_mem>>) attributes {dimension_semantics = [#tpu.dimension_semantics<core_parallel>, #tpu.dimension_semantics<subcore_parallel>], iteration_bounds = array<i64: 2, 16>, scalar_prefetch = 0 : i64, scratch_operands = 7 : i64, tpu.core_type = #tpu.core_type<sc_vector_subcore>, window_params = [{transform_indices = #map}, {transform_indices = #map}, {transform_indices = #map}]} {
    %mul3A = arith.constant 2 : i32
    %mul3A_0 = arith.muli %arg1, %mul3A : i32
    %add3A = arith.addi %mul3A_0, %arg0 : i32
    %mul3A_1 = arith.constant 128 : i32
    %mul3A_2 = arith.muli %add3A, %mul3A_1 : i32
    "tpu.region"() ({
      %run_scoped3A = tpu.sem_alloc : memref<!tpu.dma_semaphore, #tpu.memory_space<semaphore_mem>>
      %dma_start3A_218 = arith.constant 0 : i32
      %dma_start3A_219 = tpu.memref_slice %arg3[%mul3A_2, %dma_start3A_218] : memref<4096x200xi32, #tpu.memory_space<hbm>> -> memref<128x200xi32, #tpu.memory_space<hbm>>
      %dma_start3A_220 = arith.constant 0 : i32
      %dma_start3A_221 = tpu.memref_slice %arg3[%mul3A_2, %dma_start3A_220] : memref<4096x200xi32, #tpu.memory_space<hbm>> -> memref<128x200xi32, #tpu.memory_space<hbm>>
      tpu.enqueue_dma source(%dma_start3A_221 : memref<128x200xi32, #tpu.memory_space<hbm>>) target(%arg5 : memref<128x200xi32, #tpu.memory_space<vmem>>) target_semaphore(%run_scoped3A : memref<!tpu.dma_semaphore, #tpu.memory_space<semaphore_mem>>)
      %dma_wait3A_222 = arith.constant 0 : i32
      %dma_wait3A_223 = tpu.memref_slice %arg3[%mul3A_2, %dma_wait3A_222] : memref<4096x200xi32, #tpu.memory_space<hbm>> -> memref<128x200xi32, #tpu.memory_space<hbm>>
      %dma_wait3A_224 = arith.constant 0 : i32
      %dma_wait3A_225 = tpu.memref_slice %arg3[%mul3A_2, %dma_wait3A_224] : memref<4096x200xi32, #tpu.memory_space<hbm>> -> memref<128x200xi32, #tpu.memory_space<hbm>>
      tpu.wait_dma2 semaphore(%run_scoped3A : memref<!tpu.dma_semaphore, #tpu.memory_space<semaphore_mem>>) src(%dma_wait3A_225 : memref<128x200xi32, #tpu.memory_space<hbm>>) dst(%arg5 : memref<128x200xi32, #tpu.memory_space<vmem>>)
      tpu.yield
    }) : () -> ()
    %scan3A = arith.constant 0 : i32
    %scan3A_3 = arith.constant 0 : i32
    %scan3A_4 = arith.constant 128 : i32
    %scan3A_5 = arith.addi %scan3A_3, %scan3A_4 : i32
    %scan3A_6 = arith.constant 1 : i32
    scf.for %scan3A_218 = %scan3A_3 to %scan3A_5 step %scan3A_6  : i32 {
      %get3A = arith.index_cast %scan3A_218 : i32 to index
      %get3A_219 = arith.constant 0 : index
      %get3A_220 = tpu.vector_load %arg5[%get3A, %get3A_219] {strides = array<i32>} : memref<128x200xi32, #tpu.memory_space<vmem>>, vector<1x16xi32>,
      %get3A_221 = vector.shape_cast %get3A_220 : vector<1x16xi32> to vector<16xi32>
      %shift_right_arithmetic3A = arith.constant 14 : i32
      %shift_right_arithmetic3A_222 = vector.broadcast %shift_right_arithmetic3A : i32 to vector<16xi32>
      %shift_right_arithmetic3A_223 = arith.shrsi %get3A_221, %shift_right_arithmetic3A_222 : vector<16xi32>
      %shift_left3A = arith.constant 12 : i32
      %shift_left3A_224 = vector.broadcast %shift_left3A : i32 to vector<16xi32>
      %shift_left3A_225 = arith.shli %shift_right_arithmetic3A_223, %shift_left3A_224 : vector<16xi32>
      %and3A = arith.constant 4095 : i32
      %and3A_226 = vector.broadcast %and3A : i32 to vector<16xi32>
      %and3A_227 = arith.andi %get3A_221, %and3A_226 : vector<16xi32>
      %shift_right_arithmetic3A_228 = arith.constant 12 : i32
      %shift_right_arithmetic3A_229 = vector.broadcast %shift_right_arithmetic3A_228 : i32 to vector<16xi32>
      %shift_right_arithmetic3A_230 = arith.shrsi %get3A_221, %shift_right_arithmetic3A_229 : vector<16xi32>
      %and3A_231 = arith.constant 3 : i32
      %and3A_232 = vector.broadcast %and3A_231 : i32 to vector<16xi32>
      %and3A_233 = arith.andi %shift_right_arithmetic3A_230, %and3A_232 : vector<16xi32>
      %add3A_234 = arith.addi %shift_left3A_225, %and3A_227 : vector<16xi32>
      %shift_left3A_235 = arith.constant 2 : i32
      %shift_left3A_236 = vector.broadcast %shift_left3A_235 : i32 to vector<16xi32>
      %shift_left3A_237 = arith.shli %add3A_234, %shift_left3A_236 : vector<16xi32>
      %add3A_238 = arith.addi %shift_left3A_237, %and3A_233 : vector<16xi32>
      %swap3A_239 = arith.index_cast %scan3A_218 : i32 to index
      %swap3A_240 = arith.constant 0 : index
      %swap3A_241 = tpu.vector_load %arg6[%swap3A_239, %swap3A_240] {strides = array<i32>} : memref<128x200xi32, #tpu.memory_space<vmem>>, vector<1x16xi32>,
      %swap3A_242 = vector.shape_cast %swap3A_241 : vector<1x16xi32> to vector<16xi32>
      %swap3A_243 = vector.shape_cast %add3A_238 : vector<16xi32> to vector<1x16xi32>
      tpu.vector_store %arg6[%swap3A_239, %swap3A_240], %swap3A_243 {strides = array<i32>} : memref<128x200xi32, #tpu.memory_space<vmem>>, vector<1x16xi32>,
      %get3A_244 = arith.index_cast %scan3A_218 : i32 to index
      %get3A_245 = arith.constant 16 : index
      %get3A_246 = tpu.vector_load %arg5[%get3A_244, %get3A_245] {strides = array<i32>} : memref<128x200xi32, #tpu.memory_space<vmem>>, vector<1x16xi32>,
      %get3A_247 = vector.shape_cast %get3A_246 : vector<1x16xi32> to vector<16xi32>
      %shift_right_arithmetic3A_248 = arith.constant 14 : i32
      %shift_right_arithmetic3A_249 = vector.broadcast %shift_right_arithmetic3A_248 : i32 to vector<16xi32>
      %shift_right_arithmetic3A_250 = arith.shrsi %get3A_247, %shift_right_arithmetic3A_249 : vector<16xi32>
      %shift_left3A_251 = arith.constant 12 : i32
      %shift_left3A_252 = vector.broadcast %shift_left3A_251 : i32 to vector<16xi32>
      %shift_left3A_253 = arith.shli %shift_right_arithmetic3A_250, %shift_left3A_252 : vector<16xi32>
      %and3A_254 = arith.constant 4095 : i32
      %and3A_255 = vector.broadcast %and3A_254 : i32 to vector<16xi32>
      %and3A_256 = arith.andi %get3A_247, %and3A_255 : vector<16xi32>
      %shift_right_arithmetic3A_257 = arith.constant 12 : i32
      %shift_right_arithmetic3A_258 = vector.broadcast %shift_right_arithmetic3A_257 : i32 to vector<16xi32>
      %shift_right_arithmetic3A_259 = arith.shrsi %get3A_247, %shift_right_arithmetic3A_258 : vector<16xi32>
      %and3A_260 = arith.constant 3 : i32
      %and3A_261 = vector.broadcast %and3A_260 : i32 to vector<16xi32>
      %and3A_262 = arith.andi %shift_right_arithmetic3A_259, %and3A_261 : vector<16xi32>
      %add3A_263 = arith.addi %shift_left3A_253, %and3A_256 : vector<16xi32>
      %shift_left3A_264 = arith.constant 2 : i32
      %shift_left3A_265 = vector.broadcast %shift_left3A_264 : i32 to vector<16xi32>
      %shift_left3A_266 = arith.shli %add3A_263, %shift_left3A_265 : vector<16xi32>
      %add3A_267 = arith.addi %shift_left3A_266, %and3A_262 : vector<16xi32>
      %swap3A_268 = arith.index_cast %scan3A_218 : i32 to index
      %swap3A_269 = arith.constant 16 : index
      %swap3A_270 = tpu.vector_load %arg6[%swap3A_268, %swap3A_269] {strides = array<i32>} : memref<128x200xi32, #tpu.memory_space<vmem>>, vector<1x16xi32>,
      %swap3A_271 = vector.shape_cast %swap3A_270 : vector<1x16xi32> to vector<16xi32>
      %swap3A_272 = vector.shape_cast %add3A_267 : vector<16xi32> to vector<1x16xi32>
      tpu.vector_store %arg6[%swap3A_268, %swap3A_269], %swap3A_272 {strides = array<i32>} : memref<128x200xi32, #tpu.memory_space<vmem>>, vector<1x16xi32>,
      %get3A_273 = arith.index_cast %scan3A_218 : i32 to index
      %get3A_274 = arith.constant 32 : index
      %get3A_275 = tpu.vector_load %arg5[%get3A_273, %get3A_274] {strides = array<i32>} : memref<128x200xi32, #tpu.memory_space<vmem>>, vector<1x16xi32>,
      %get3A_276 = vector.shape_cast %get3A_275 : vector<1x16xi32> to vector<16xi32>
      %shift_right_arithmetic3A_277 = arith.constant 14 : i32
      %shift_right_arithmetic3A_278 = vector.broadcast %shift_right_arithmetic3A_277 : i32 to vector<16xi32>
      %shift_right_arithmetic3A_279 = arith.shrsi %get3A_276, %shift_right_arithmetic3A_278 : vector<16xi32>
      %shift_left3A_280 = arith.constant 12 : i32
      %shift_left3A_281 = vector.broadcast %shift_left3A_280 : i32 to vector<16xi32>
      %shift_left3A_282 = arith.shli %shift_right_arithmetic3A_279, %shift_left3A_281 : vector<16xi32>
      %and3A_283 = arith.constant 4095 : i32
      %and3A_284 = vector.broadcast %and3A_283 : i32 to vector<16xi32>
      %and3A_285 = arith.andi %get3A_276, %and3A_284 : vector<16xi32>
      %shift_right_arithmetic3A_286 = arith.constant 12 : i32
      %shift_right_arithmetic3A_287 = vector.broadcast %shift_right_arithmetic3A_286 : i32 to vector<16xi32>
      %shift_right_arithmetic3A_288 = arith.shrsi %get3A_276, %shift_right_arithmetic3A_287 : vector<16xi32>
      %and3A_289 = arith.constant 3 : i32
      %and3A_290 = vector.broadcast %and3A_289 : i32 to vector<16xi32>
      %and3A_291 = arith.andi %shift_right_arithmetic3A_288, %and3A_290 : vector<16xi32>
      %add3A_292 = arith.addi %shift_left3A_282, %and3A_285 : vector<16xi32>
      %shift_left3A_293 = arith.constant 2 : i32
      %shift_left3A_294 = vector.broadcast %shift_left3A_293 : i32 to vector<16xi32>
      %shift_left3A_295 = arith.shli %add3A_292, %shift_left3A_294 : vector<16xi32>
      %add3A_296 = arith.addi %shift_left3A_295, %and3A_291 : vector<16xi32>
      %swap3A_297 = arith.index_cast %scan3A_218 : i32 to index
      %swap3A_298 = arith.constant 32 : index
      %swap3A_299 = tpu.vector_load %arg6[%swap3A_297, %swap3A_298] {strides = array<i32>} : memref<128x200xi32, #tpu.memory_space<vmem>>, vector<1x16xi32>,
      %swap3A_300 = vector.shape_cast %swap3A_299 : vector<1x16xi32> to vector<16xi32>
      %swap3A_301 = vector.shape_cast %add3A_296 : vector<16xi32> to vector<1x16xi32>
      tpu.vector_store %arg6[%swap3A_297, %swap3A_298], %swap3A_301 {strides = array<i32>} : memref<128x200xi32, #tpu.memory_space<vmem>>, vector<1x16xi32>,
      %get3A_302 = arith.index_cast %scan3A_218 : i32 to index
      %get3A_303 = arith.constant 48 : index
      %get3A_304 = tpu.vector_load %arg5[%get3A_302, %get3A_303] {strides = array<i32>} : memref<128x200xi32, #tpu.memory_space<vmem>>, vector<1x16xi32>,
      %get3A_305 = vector.shape_cast %get3A_304 : vector<1x16xi32> to vector<16xi32>
      %shift_right_arithmetic3A_306 = arith.constant 14 : i32
      %shift_right_arithmetic3A_307 = vector.broadcast %shift_right_arithmetic3A_306 : i32 to vector<16xi32>
      %shift_right_arithmetic3A_308 = arith.shrsi %get3A_305, %shift_right_arithmetic3A_307 : vector<16xi32>
      %shift_left3A_309 = arith.constant 12 : i32
      %shift_left3A_310 = vector.broadcast %shift_left3A_309 : i32 to vector<16xi32>
      %shift_left3A_311 = arith.shli %shift_right_arithmetic3A_308, %shift_left3A_310 : vector<16xi32>
      %and3A_312 = arith.constant 4095 : i32
      %and3A_313 = vector.broadcast %and3A_312 : i32 to vector<16xi32>
      %and3A_314 = arith.andi %get3A_305, %and3A_313 : vector<16xi32>
      %shift_right_arithmetic3A_315 = arith.constant 12 : i32
      %shift_right_arithmetic3A_316 = vector.broadcast %shift_right_arithmetic3A_315 : i32 to vector<16xi32>
      %shift_right_arithmetic3A_317 = arith.shrsi %get3A_305, %shift_right_arithmetic3A_316 : vector<16xi32>
      %and3A_318 = arith.constant 3 : i32
      %and3A_319 = vector.broadcast %and3A_318 : i32 to vector<16xi32>
      %and3A_320 = arith.andi %shift_right_arithmetic3A_317, %and3A_319 : vector<16xi32>
      %add3A_321 = arith.addi %shift_left3A_311, %and3A_314 : vector<16xi32>
      %shift_left3A_322 = arith.constant 2 : i32
      %shift_left3A_323 = vector.broadcast %shift_left3A_322 : i32 to vector<16xi32>
      %shift_left3A_324 = arith.shli %add3A_321, %shift_left3A_323 : vector<16xi32>
      %add3A_325 = arith.addi %shift_left3A_324, %and3A_320 : vector<16xi32>
      %swap3A_326 = arith.index_cast %scan3A_218 : i32 to index
      %swap3A_327 = arith.constant 48 : index
      %swap3A_328 = tpu.vector_load %arg6[%swap3A_326, %swap3A_327] {strides = array<i32>} : memref<128x200xi32, #tpu.memory_space<vmem>>, vector<1x16xi32>,
      %swap3A_329 = vector.shape_cast %swap3A_328 : vector<1x16xi32> to vector<16xi32>
      %swap3A_330 = vector.shape_cast %add3A_325 : vector<16xi32> to vector<1x16xi32>
      tpu.vector_store %arg6[%swap3A_326, %swap3A_327], %swap3A_330 {strides = array<i32>} : memref<128x200xi32, #tpu.memory_space<vmem>>, vector<1x16xi32>,
      %get3A_331 = arith.index_cast %scan3A_218 : i32 to index
      %get3A_332 = arith.constant 64 : index
      %get3A_333 = tpu.vector_load %arg5[%get3A_331, %get3A_332] {strides = array<i32>} : memref<128x200xi32, #tpu.memory_space<vmem>>, vector<1x16xi32>,
      %get3A_334 = vector.shape_cast %get3A_333 : vector<1x16xi32> to vector<16xi32>
      %shift_right_arithmetic3A_335 = arith.constant 14 : i32
      %shift_right_arithmetic3A_336 = vector.broadcast %shift_right_arithmetic3A_335 : i32 to vector<16xi32>
      %shift_right_arithmetic3A_337 = arith.shrsi %get3A_334, %shift_right_arithmetic3A_336 : vector<16xi32>
      %shift_left3A_338 = arith.constant 12 : i32
      %shift_left3A_339 = vector.broadcast %shift_left3A_338 : i32 to vector<16xi32>
      %shift_left3A_340 = arith.shli %shift_right_arithmetic3A_337, %shift_left3A_339 : vector<16xi32>
      %and3A_341 = arith.constant 4095 : i32
      %and3A_342 = vector.broadcast %and3A_341 : i32 to vector<16xi32>
      %and3A_343 = arith.andi %get3A_334, %and3A_342 : vector<16xi32>
      %shift_right_arithmetic3A_344 = arith.constant 12 : i32
      %shift_right_arithmetic3A_345 = vector.broadcast %shift_right_arithmetic3A_344 : i32 to vector<16xi32>
      %shift_right_arithmetic3A_346 = arith.shrsi %get3A_334, %shift_right_arithmetic3A_345 : vector<16xi32>
      %and3A_347 = arith.constant 3 : i32
      %and3A_348 = vector.broadcast %and3A_347 : i32 to vector<16xi32>
      %and3A_349 = arith.andi %shift_right_arithmetic3A_346, %and3A_348 : vector<16xi32>
      %add3A_350 = arith.addi %shift_left3A_340, %and3A_343 : vector<16xi32>
      %shift_left3A_351 = arith.constant 2 : i32
      %shift_left3A_352 = vector.broadcast %shift_left3A_351 : i32 to vector<16xi32>
      %shift_left3A_353 = arith.shli %add3A_350, %shift_left3A_352 : vector<16xi32>
      %add3A_354 = arith.addi %shift_left3A_353, %and3A_349 : vector<16xi32>
      %swap3A_355 = arith.index_cast %scan3A_218 : i32 to index
      %swap3A_356 = arith.constant 64 : index
      %swap3A_357 = tpu.vector_load %arg6[%swap3A_355, %swap3A_356] {strides = array<i32>} : memref<128x200xi32, #tpu.memory_space<vmem>>, vector<1x16xi32>,
      %swap3A_358 = vector.shape_cast %swap3A_357 : vector<1x16xi32> to vector<16xi32>
      %swap3A_359 = vector.shape_cast %add3A_354 : vector<16xi32> to vector<1x16xi32>
      tpu.vector_store %arg6[%swap3A_355, %swap3A_356], %swap3A_359 {strides = array<i32>} : memref<128x200xi32, #tpu.memory_space<vmem>>, vector<1x16xi32>,
      %get3A_360 = arith.index_cast %scan3A_218 : i32 to index
      %get3A_361 = arith.constant 80 : index
      %get3A_362 = tpu.vector_load %arg5[%get3A_360, %get3A_361] {strides = array<i32>} : memref<128x200xi32, #tpu.memory_space<vmem>>, vector<1x16xi32>,
      %get3A_363 = vector.shape_cast %get3A_362 : vector<1x16xi32> to vector<16xi32>
      %shift_right_arithmetic3A_364 = arith.constant 14 : i32
      %shift_right_arithmetic3A_365 = vector.broadcast %shift_right_arithmetic3A_364 : i32 to vector<16xi32>
      %shift_right_arithmetic3A_366 = arith.shrsi %get3A_363, %shift_right_arithmetic3A_365 : vector<16xi32>
      %shift_left3A_367 = arith.constant 12 : i32
      %shift_left3A_368 = vector.broadcast %shift_left3A_367 : i32 to vector<16xi32>
      %shift_left3A_369 = arith.shli %shift_right_arithmetic3A_366, %shift_left3A_368 : vector<16xi32>
      %and3A_370 = arith.constant 4095 : i32
      %and3A_371 = vector.broadcast %and3A_370 : i32 to vector<16xi32>
      %and3A_372 = arith.andi %get3A_363, %and3A_371 : vector<16xi32>
      %shift_right_arithmetic3A_373 = arith.constant 12 : i32
      %shift_right_arithmetic3A_374 = vector.broadcast %shift_right_arithmetic3A_373 : i32 to vector<16xi32>
      %shift_right_arithmetic3A_375 = arith.shrsi %get3A_363, %shift_right_arithmetic3A_374 : vector<16xi32>
      %and3A_376 = arith.constant 3 : i32
      %and3A_377 = vector.broadcast %and3A_376 : i32 to vector<16xi32>
      %and3A_378 = arith.andi %shift_right_arithmetic3A_375, %and3A_377 : vector<16xi32>
      %add3A_379 = arith.addi %shift_left3A_369, %and3A_372 : vector<16xi32>
      %shift_left3A_380 = arith.constant 2 : i32
      %shift_left3A_381 = vector.broadcast %shift_left3A_380 : i32 to vector<16xi32>
      %shift_left3A_382 = arith.shli %add3A_379, %shift_left3A_381 : vector<16xi32>
      %add3A_383 = arith.addi %shift_left3A_382, %and3A_378 : vector<16xi32>
      %swap3A_384 = arith.index_cast %scan3A_218 : i32 to index
      %swap3A_385 = arith.constant 80 : index
      %swap3A_386 = tpu.vector_load %arg6[%swap3A_384, %swap3A_385] {strides = array<i32>} : memref<128x200xi32, #tpu.memory_space<vmem>>, vector<1x16xi32>,
      %swap3A_387 = vector.shape_cast %swap3A_386 : vector<1x16xi32> to vector<16xi32>
      %swap3A_388 = vector.shape_cast %add3A_383 : vector<16xi32> to vector<1x16xi32>
      tpu.vector_store %arg6[%swap3A_384, %swap3A_385], %swap3A_388 {strides = array<i32>} : memref<128x200xi32, #tpu.memory_space<vmem>>, vector<1x16xi32>,
      %get3A_389 = arith.index_cast %scan3A_218 : i32 to index
      %get3A_390 = arith.constant 96 : index
      %get3A_391 = tpu.vector_load %arg5[%get3A_389, %get3A_390] {strides = array<i32>} : memref<128x200xi32, #tpu.memory_space<vmem>>, vector<1x16xi32>,
      %get3A_392 = vector.shape_cast %get3A_391 : vector<1x16xi32> to vector<16xi32>
      %shift_right_arithmetic3A_393 = arith.constant 14 : i32
      %shift_right_arithmetic3A_394 = vector.broadcast %shift_right_arithmetic3A_393 : i32 to vector<16xi32>
      %shift_right_arithmetic3A_395 = arith.shrsi %get3A_392, %shift_right_arithmetic3A_394 : vector<16xi32>
      %shift_left3A_396 = arith.constant 12 : i32
      %shift_left3A_397 = vector.broadcast %shift_left3A_396 : i32 to vector<16xi32>
      %shift_left3A_398 = arith.shli %shift_right_arithmetic3A_395, %shift_left3A_397 : vector<16xi32>
      %and3A_399 = arith.constant 4095 : i32
      %and3A_400 = vector.broadcast %and3A_399 : i32 to vector<16xi32>
      %and3A_401 = arith.andi %get3A_392, %and3A_400 : vector<16xi32>
      %shift_right_arithmetic3A_402 = arith.constant 12 : i32
      %shift_right_arithmetic3A_403 = vector.broadcast %shift_right_arithmetic3A_402 : i32 to vector<16xi32>
      %shift_right_arithmetic3A_404 = arith.shrsi %get3A_392, %shift_right_arithmetic3A_403 : vector<16xi32>
      %and3A_405 = arith.constant 3 : i32
      %and3A_406 = vector.broadcast %and3A_405 : i32 to vector<16xi32>
      %and3A_407 = arith.andi %shift_right_arithmetic3A_404, %and3A_406 : vector<16xi32>
      %add3A_408 = arith.addi %shift_left3A_398, %and3A_401 : vector<16xi32>
      %shift_left3A_409 = arith.constant 2 : i32
      %shift_left3A_410 = vector.broadcast %shift_left3A_409 : i32 to vector<16xi32>
      %shift_left3A_411 = arith.shli %add3A_408, %shift_left3A_410 : vector<16xi32>
      %add3A_412 = arith.addi %shift_left3A_411, %and3A_407 : vector<16xi32>
      %swap3A_413 = arith.index_cast %scan3A_218 : i32 to index
      %swap3A_414 = arith.constant 96 : index
      %swap3A_415 = tpu.vector_load %arg6[%swap3A_413, %swap3A_414] {strides = array<i32>} : memref<128x200xi32, #tpu.memory_space<vmem>>, vector<1x16xi32>,
      %swap3A_416 = vector.shape_cast %swap3A_415 : vector<1x16xi32> to vector<16xi32>
      %swap3A_417 = vector.shape_cast %add3A_412 : vector<16xi32> to vector<1x16xi32>
      tpu.vector_store %arg6[%swap3A_413, %swap3A_414], %swap3A_417 {strides = array<i32>} : memref<128x200xi32, #tpu.memory_space<vmem>>, vector<1x16xi32>,
      %get3A_418 = arith.index_cast %scan3A_218 : i32 to index
      %get3A_419 = arith.constant 112 : index
      %get3A_420 = tpu.vector_load %arg5[%get3A_418, %get3A_419] {strides = array<i32>} : memref<128x200xi32, #tpu.memory_space<vmem>>, vector<1x16xi32>,
      %get3A_421 = vector.shape_cast %get3A_420 : vector<1x16xi32> to vector<16xi32>
      %shift_right_arithmetic3A_422 = arith.constant 14 : i32
      %shift_right_arithmetic3A_423 = vector.broadcast %shift_right_arithmetic3A_422 : i32 to vector<16xi32>
      %shift_right_arithmetic3A_424 = arith.shrsi %get3A_421, %shift_right_arithmetic3A_423 : vector<16xi32>
      %shift_left3A_425 = arith.constant 12 : i32
      %shift_left3A_426 = vector.broadcast %shift_left3A_425 : i32 to vector<16xi32>
      %shift_left3A_427 = arith.shli %shift_right_arithmetic3A_424, %shift_left3A_426 : vector<16xi32>
      %and3A_428 = arith.constant 4095 : i32
      %and3A_429 = vector.broadcast %and3A_428 : i32 to vector<16xi32>
      %and3A_430 = arith.andi %get3A_421, %and3A_429 : vector<16xi32>
      %shift_right_arithmetic3A_431 = arith.constant 12 : i32
      %shift_right_arithmetic3A_432 = vector.broadcast %shift_right_arithmetic3A_431 : i32 to vector<16xi32>
      %shift_right_arithmetic3A_433 = arith.shrsi %get3A_421, %shift_right_arithmetic3A_432 : vector<16xi32>
      %and3A_434 = arith.constant 3 : i32
      %and3A_435 = vector.broadcast %and3A_434 : i32 to vector<16xi32>
      %and3A_436 = arith.andi %shift_right_arithmetic3A_433, %and3A_435 : vector<16xi32>
      %add3A_437 = arith.addi %shift_left3A_427, %and3A_430 : vector<16xi32>
      %shift_left3A_438 = arith.constant 2 : i32
      %shift_left3A_439 = vector.broadcast %shift_left3A_438 : i32 to vector<16xi32>
      %shift_left3A_440 = arith.shli %add3A_437, %shift_left3A_439 : vector<16xi32>
      %add3A_441 = arith.addi %shift_left3A_440, %and3A_436 : vector<16xi32>
      %swap3A_442 = arith.index_cast %scan3A_218 : i32 to index
      %swap3A_443 = arith.constant 112 : index
      %swap3A_444 = tpu.vector_load %arg6[%swap3A_442, %swap3A_443] {strides = array<i32>} : memref<128x200xi32, #tpu.memory_space<vmem>>, vector<1x16xi32>,
      %swap3A_445 = vector.shape_cast %swap3A_444 : vector<1x16xi32> to vector<16xi32>
      %swap3A_446 = vector.shape_cast %add3A_441 : vector<16xi32> to vector<1x16xi32>
      tpu.vector_store %arg6[%swap3A_442, %swap3A_443], %swap3A_446 {strides = array<i32>} : memref<128x200xi32, #tpu.memory_space<vmem>>, vector<1x16xi32>,
      %get3A_447 = arith.index_cast %scan3A_218 : i32 to index
      %get3A_448 = arith.constant 128 : index
      %get3A_449 = tpu.vector_load %arg5[%get3A_447, %get3A_448] {strides = array<i32>} : memref<128x200xi32, #tpu.memory_space<vmem>>, vector<1x16xi32>,
      %get3A_450 = vector.shape_cast %get3A_449 : vector<1x16xi32> to vector<16xi32>
      %shift_right_arithmetic3A_451 = arith.constant 14 : i32
      %shift_right_arithmetic3A_452 = vector.broadcast %shift_right_arithmetic3A_451 : i32 to vector<16xi32>
      %shift_right_arithmetic3A_453 = arith.shrsi %get3A_450, %shift_right_arithmetic3A_452 : vector<16xi32>
      %shift_left3A_454 = arith.constant 12 : i32
      %shift_left3A_455 = vector.broadcast %shift_left3A_454 : i32 to vector<16xi32>
      %shift_left3A_456 = arith.shli %shift_right_arithmetic3A_453, %shift_left3A_455 : vector<16xi32>
      %and3A_457 = arith.constant 4095 : i32
      %and3A_458 = vector.broadcast %and3A_457 : i32 to vector<16xi32>
      %and3A_459 = arith.andi %get3A_450, %and3A_458 : vector<16xi32>
      %shift_right_arithmetic3A_460 = arith.constant 12 : i32
      %shift_right_arithmetic3A_461 = vector.broadcast %shift_right_arithmetic3A_460 : i32 to vector<16xi32>
      %shift_right_arithmetic3A_462 = arith.shrsi %get3A_450, %shift_right_arithmetic3A_461 : vector<16xi32>
      %and3A_463 = arith.constant 3 : i32
      %and3A_464 = vector.broadcast %and3A_463 : i32 to vector<16xi32>
      %and3A_465 = arith.andi %shift_right_arithmetic3A_462, %and3A_464 : vector<16xi32>
      %add3A_466 = arith.addi %shift_left3A_456, %and3A_459 : vector<16xi32>
      %shift_left3A_467 = arith.constant 2 : i32
      %shift_left3A_468 = vector.broadcast %shift_left3A_467 : i32 to vector<16xi32>
      %shift_left3A_469 = arith.shli %add3A_466, %shift_left3A_468 : vector<16xi32>
      %add3A_470 = arith.addi %shift_left3A_469, %and3A_465 : vector<16xi32>
      %swap3A_471 = arith.index_cast %scan3A_218 : i32 to index
      %swap3A_472 = arith.constant 128 : index
      %swap3A_473 = tpu.vector_load %arg6[%swap3A_471, %swap3A_472] {strides = array<i32>} : memref<128x200xi32, #tpu.memory_space<vmem>>, vector<1x16xi32>,
      %swap3A_474 = vector.shape_cast %swap3A_473 : vector<1x16xi32> to vector<16xi32>
      %swap3A_475 = vector.shape_cast %add3A_470 : vector<16xi32> to vector<1x16xi32>
      tpu.vector_store %arg6[%swap3A_471, %swap3A_472], %swap3A_475 {strides = array<i32>} : memref<128x200xi32, #tpu.memory_space<vmem>>, vector<1x16xi32>,
      %get3A_476 = arith.index_cast %scan3A_218 : i32 to index
      %get3A_477 = arith.constant 144 : index
      %get3A_478 = tpu.vector_load %arg5[%get3A_476, %get3A_477] {strides = array<i32>} : memref<128x200xi32, #tpu.memory_space<vmem>>, vector<1x16xi32>,
      %get3A_479 = vector.shape_cast %get3A_478 : vector<1x16xi32> to vector<16xi32>
      %shift_right_arithmetic3A_480 = arith.constant 14 : i32
      %shift_right_arithmetic3A_481 = vector.broadcast %shift_right_arithmetic3A_480 : i32 to vector<16xi32>
      %shift_right_arithmetic3A_482 = arith.shrsi %get3A_479, %shift_right_arithmetic3A_481 : vector<16xi32>
      %shift_left3A_483 = arith.constant 12 : i32
      %shift_left3A_484 = vector.broadcast %shift_left3A_483 : i32 to vector<16xi32>
      %shift_left3A_485 = arith.shli %shift_right_arithmetic3A_482, %shift_left3A_484 : vector<16xi32>
      %and3A_486 = arith.constant 4095 : i32
      %and3A_487 = vector.broadcast %and3A_486 : i32 to vector<16xi32>
      %and3A_488 = arith.andi %get3A_479, %and3A_487 : vector<16xi32>
      %shift_right_arithmetic3A_489 = arith.constant 12 : i32
      %shift_right_arithmetic3A_490 = vector.broadcast %shift_right_arithmetic3A_489 : i32 to vector<16xi32>
      %shift_right_arithmetic3A_491 = arith.shrsi %get3A_479, %shift_right_arithmetic3A_490 : vector<16xi32>
      %and3A_492 = arith.constant 3 : i32
      %and3A_493 = vector.broadcast %and3A_492 : i32 to vector<16xi32>
      %and3A_494 = arith.andi %shift_right_arithmetic3A_491, %and3A_493 : vector<16xi32>
      %add3A_495 = arith.addi %shift_left3A_485, %and3A_488 : vector<16xi32>
      %shift_left3A_496 = arith.constant 2 : i32
      %shift_left3A_497 = vector.broadcast %shift_left3A_496 : i32 to vector<16xi32>
      %shift_left3A_498 = arith.shli %add3A_495, %shift_left3A_497 : vector<16xi32>
      %add3A_499 = arith.addi %shift_left3A_498, %and3A_494 : vector<16xi32>
      %swap3A_500 = arith.index_cast %scan3A_218 : i32 to index
      %swap3A_501 = arith.constant 144 : index
      %swap3A_502 = tpu.vector_load %arg6[%swap3A_500, %swap3A_501] {strides = array<i32>} : memref<128x200xi32, #tpu.memory_space<vmem>>, vector<1x16xi32>,
      %swap3A_503 = vector.shape_cast %swap3A_502 : vector<1x16xi32> to vector<16xi32>
      %swap3A_504 = vector.shape_cast %add3A_499 : vector<16xi32> to vector<1x16xi32>
      tpu.vector_store %arg6[%swap3A_500, %swap3A_501], %swap3A_504 {strides = array<i32>} : memref<128x200xi32, #tpu.memory_space<vmem>>, vector<1x16xi32>,
      %get3A_505 = arith.index_cast %scan3A_218 : i32 to index
      %get3A_506 = arith.constant 160 : index
      %get3A_507 = tpu.vector_load %arg5[%get3A_505, %get3A_506] {strides = array<i32>} : memref<128x200xi32, #tpu.memory_space<vmem>>, vector<1x16xi32>,
      %get3A_508 = vector.shape_cast %get3A_507 : vector<1x16xi32> to vector<16xi32>
      %shift_right_arithmetic3A_509 = arith.constant 14 : i32
      %shift_right_arithmetic3A_510 = vector.broadcast %shift_right_arithmetic3A_509 : i32 to vector<16xi32>
      %shift_right_arithmetic3A_511 = arith.shrsi %get3A_508, %shift_right_arithmetic3A_510 : vector<16xi32>
      %shift_left3A_512 = arith.constant 12 : i32
      %shift_left3A_513 = vector.broadcast %shift_left3A_512 : i32 to vector<16xi32>
      %shift_left3A_514 = arith.shli %shift_right_arithmetic3A_511, %shift_left3A_513 : vector<16xi32>
      %and3A_515 = arith.constant 4095 : i32
      %and3A_516 = vector.broadcast %and3A_515 : i32 to vector<16xi32>
      %and3A_517 = arith.andi %get3A_508, %and3A_516 : vector<16xi32>
      %shift_right_arithmetic3A_518 = arith.constant 12 : i32
      %shift_right_arithmetic3A_519 = vector.broadcast %shift_right_arithmetic3A_518 : i32 to vector<16xi32>
      %shift_right_arithmetic3A_520 = arith.shrsi %get3A_508, %shift_right_arithmetic3A_519 : vector<16xi32>
      %and3A_521 = arith.constant 3 : i32
      %and3A_522 = vector.broadcast %and3A_521 : i32 to vector<16xi32>
      %and3A_523 = arith.andi %shift_right_arithmetic3A_520, %and3A_522 : vector<16xi32>
      %add3A_524 = arith.addi %shift_left3A_514, %and3A_517 : vector<16xi32>
      %shift_left3A_525 = arith.constant 2 : i32
      %shift_left3A_526 = vector.broadcast %shift_left3A_525 : i32 to vector<16xi32>
      %shift_left3A_527 = arith.shli %add3A_524, %shift_left3A_526 : vector<16xi32>
      %add3A_528 = arith.addi %shift_left3A_527, %and3A_523 : vector<16xi32>
      %swap3A_529 = arith.index_cast %scan3A_218 : i32 to index
      %swap3A_530 = arith.constant 160 : index
      %swap3A_531 = tpu.vector_load %arg6[%swap3A_529, %swap3A_530] {strides = array<i32>} : memref<128x200xi32, #tpu.memory_space<vmem>>, vector<1x16xi32>,
      %swap3A_532 = vector.shape_cast %swap3A_531 : vector<1x16xi32> to vector<16xi32>
      %swap3A_533 = vector.shape_cast %add3A_528 : vector<16xi32> to vector<1x16xi32>
      tpu.vector_store %arg6[%swap3A_529, %swap3A_530], %swap3A_533 {strides = array<i32>} : memref<128x200xi32, #tpu.memory_space<vmem>>, vector<1x16xi32>,
      %get3A_534 = arith.index_cast %scan3A_218 : i32 to index
      %get3A_535 = arith.constant 176 : index
      %get3A_536 = tpu.vector_load %arg5[%get3A_534, %get3A_535] {strides = array<i32>} : memref<128x200xi32, #tpu.memory_space<vmem>>, vector<1x16xi32>,
      %get3A_537 = vector.shape_cast %get3A_536 : vector<1x16xi32> to vector<16xi32>
      %shift_right_arithmetic3A_538 = arith.constant 14 : i32
      %shift_right_arithmetic3A_539 = vector.broadcast %shift_right_arithmetic3A_538 : i32 to vector<16xi32>
      %shift_right_arithmetic3A_540 = arith.shrsi %get3A_537, %shift_right_arithmetic3A_539 : vector<16xi32>
      %shift_left3A_541 = arith.constant 12 : i32
      %shift_left3A_542 = vector.broadcast %shift_left3A_541 : i32 to vector<16xi32>
      %shift_left3A_543 = arith.shli %shift_right_arithmetic3A_540, %shift_left3A_542 : vector<16xi32>
      %and3A_544 = arith.constant 4095 : i32
      %and3A_545 = vector.broadcast %and3A_544 : i32 to vector<16xi32>
      %and3A_546 = arith.andi %get3A_537, %and3A_545 : vector<16xi32>
      %shift_right_arithmetic3A_547 = arith.constant 12 : i32
      %shift_right_arithmetic3A_548 = vector.broadcast %shift_right_arithmetic3A_547 : i32 to vector<16xi32>
      %shift_right_arithmetic3A_549 = arith.shrsi %get3A_537, %shift_right_arithmetic3A_548 : vector<16xi32>
      %and3A_550 = arith.constant 3 : i32
      %and3A_551 = vector.broadcast %and3A_550 : i32 to vector<16xi32>
      %and3A_552 = arith.andi %shift_right_arithmetic3A_549, %and3A_551 : vector<16xi32>
      %add3A_553 = arith.addi %shift_left3A_543, %and3A_546 : vector<16xi32>
      %shift_left3A_554 = arith.constant 2 : i32
      %shift_left3A_555 = vector.broadcast %shift_left3A_554 : i32 to vector<16xi32>
      %shift_left3A_556 = arith.shli %add3A_553, %shift_left3A_555 : vector<16xi32>
      %add3A_557 = arith.addi %shift_left3A_556, %and3A_552 : vector<16xi32>
      %swap3A_558 = arith.index_cast %scan3A_218 : i32 to index
      %swap3A_559 = arith.constant 176 : index
      %swap3A_560 = tpu.vector_load %arg6[%swap3A_558, %swap3A_559] {strides = array<i32>} : memref<128x200xi32, #tpu.memory_space<vmem>>, vector<1x16xi32>,
      %swap3A_561 = vector.shape_cast %swap3A_560 : vector<1x16xi32> to vector<16xi32>
      %swap3A_562 = vector.shape_cast %add3A_557 : vector<16xi32> to vector<1x16xi32>
      tpu.vector_store %arg6[%swap3A_558, %swap3A_559], %swap3A_562 {strides = array<i32>} : memref<128x200xi32, #tpu.memory_space<vmem>>, vector<1x16xi32>,
      %get3A_563 = arith.index_cast %scan3A_218 : i32 to index
      %get3A_564 = arith.constant 184 : index
      %get3A_565 = tpu.vector_load %arg5[%get3A_563, %get3A_564] {strides = array<i32>} : memref<128x200xi32, #tpu.memory_space<vmem>>, vector<1x16xi32>,
      %get3A_566 = vector.shape_cast %get3A_565 : vector<1x16xi32> to vector<16xi32>
      %shift_right_arithmetic3A_567 = arith.constant 14 : i32
      %shift_right_arithmetic3A_568 = vector.broadcast %shift_right_arithmetic3A_567 : i32 to vector<16xi32>
      %shift_right_arithmetic3A_569 = arith.shrsi %get3A_566, %shift_right_arithmetic3A_568 : vector<16xi32>
      %shift_left3A_570 = arith.constant 12 : i32
      %shift_left3A_571 = vector.broadcast %shift_left3A_570 : i32 to vector<16xi32>
      %shift_left3A_572 = arith.shli %shift_right_arithmetic3A_569, %shift_left3A_571 : vector<16xi32>
      %and3A_573 = arith.constant 4095 : i32
      %and3A_574 = vector.broadcast %and3A_573 : i32 to vector<16xi32>
      %and3A_575 = arith.andi %get3A_566, %and3A_574 : vector<16xi32>
      %shift_right_arithmetic3A_576 = arith.constant 12 : i32
      %shift_right_arithmetic3A_577 = vector.broadcast %shift_right_arithmetic3A_576 : i32 to vector<16xi32>
      %shift_right_arithmetic3A_578 = arith.shrsi %get3A_566, %shift_right_arithmetic3A_577 : vector<16xi32>
      %and3A_579 = arith.constant 3 : i32
      %and3A_580 = vector.broadcast %and3A_579 : i32 to vector<16xi32>
      %and3A_581 = arith.andi %shift_right_arithmetic3A_578, %and3A_580 : vector<16xi32>
      %add3A_582 = arith.addi %shift_left3A_572, %and3A_575 : vector<16xi32>
      %shift_left3A_583 = arith.constant 2 : i32
      %shift_left3A_584 = vector.broadcast %shift_left3A_583 : i32 to vector<16xi32>
      %shift_left3A_585 = arith.shli %add3A_582, %shift_left3A_584 : vector<16xi32>
      %add3A_586 = arith.addi %shift_left3A_585, %and3A_581 : vector<16xi32>
      %swap3A_587 = arith.index_cast %scan3A_218 : i32 to index
      %swap3A_588 = arith.constant 184 : index
      %swap3A_589 = tpu.vector_load %arg6[%swap3A_587, %swap3A_588] {strides = array<i32>} : memref<128x200xi32, #tpu.memory_space<vmem>>, vector<1x16xi32>,
      %swap3A_590 = vector.shape_cast %swap3A_589 : vector<1x16xi32> to vector<16xi32>
      %swap3A_591 = vector.shape_cast %add3A_586 : vector<16xi32> to vector<1x16xi32>
      tpu.vector_store %arg6[%swap3A_587, %swap3A_588], %swap3A_591 {strides = array<i32>} : memref<128x200xi32, #tpu.memory_space<vmem>>, vector<1x16xi32>,
    }
    %scan3A_7 = arith.constant 128 : i32
    %dma_start3A = arith.constant 0 : i32
    %dma_start3A_8 = arith.constant 0 : i32
    %dma_start3A_9 = arith.constant 0 : i32
    %dma_start3A_10 = tpu.memref_slice %arg7[%dma_start3A_8, %dma_start3A_9] : memref<200x32xf32, #tpu.memory_space<vmem>> -> memref<128x32xf32, #tpu.memory_space<vmem>>
    %dma_start3A_11 = arith.constant 0 : i32
    %dma_start3A_12 = tpu.memref_slice %arg6[%dma_start3A, %dma_start3A_11] : memref<128x200xi32, #tpu.memory_space<vmem>> -> memref<1x128xi32, #tpu.memory_space<vmem>>
    %dma_start3A_13 = tpu.memref_squeeze %dma_start3A_12 : memref<1x128xi32, #tpu.memory_space<vmem>> -> memref<128xi32, #tpu.memory_space<vmem>>
    %dma_start3A_14 = arith.constant 0 : i32
    %dma_start3A_15 = arith.constant 0 : i32
    %dma_start3A_16 = tpu.memref_slice %arg2[%dma_start3A_14, %dma_start3A_15] : memref<1015808x32xf32, #tpu.memory_space<hbm>> -> memref<1015808x32xf32, #tpu.memory_space<hbm>>
    tpu.enqueue_indirect_dma source(%dma_start3A_16 : memref<1015808x32xf32, #tpu.memory_space<hbm>>) target(%dma_start3A_10 : memref<128x32xf32, #tpu.memory_space<vmem>>) offsets(%dma_start3A_13 : memref<128xi32, #tpu.memory_space<vmem>>) semaphore(%arg10 : memref<!tpu.dma_semaphore, #tpu.memory_space<semaphore_mem>>)
    %dma_start3A_17 = arith.constant 0 : i32
    %dma_start3A_18 = arith.constant 128 : i32
    %dma_start3A_19 = arith.constant 0 : i32
    %dma_start3A_20 = tpu.memref_slice %arg7[%dma_start3A_18, %dma_start3A_19] : memref<200x32xf32, #tpu.memory_space<vmem>> -> memref<72x32xf32, #tpu.memory_space<vmem>>
    %dma_start3A_21 = arith.constant 128 : i32
    %dma_start3A_22 = tpu.memref_slice %arg6[%dma_start3A_17, %dma_start3A_21] : memref<128x200xi32, #tpu.memory_space<vmem>> -> memref<1x72xi32, #tpu.memory_space<vmem>>
    %dma_start3A_23 = tpu.memref_squeeze %dma_start3A_22 : memref<1x72xi32, #tpu.memory_space<vmem>> -> memref<72xi32, #tpu.memory_space<vmem>>
    %dma_start3A_24 = arith.constant 0 : i32
    %dma_start3A_25 = arith.constant 0 : i32
    %dma_start3A_26 = tpu.memref_slice %arg2[%dma_start3A_24, %dma_start3A_25] : memref<1015808x32xf32, #tpu.memory_space<hbm>> -> memref<1015808x32xf32, #tpu.memory_space<hbm>>
    tpu.enqueue_indirect_dma source(%dma_start3A_26 : memref<1015808x32xf32, #tpu.memory_space<hbm>>) target(%dma_start3A_20 : memref<72x32xf32, #tpu.memory_space<vmem>>) offsets(%dma_start3A_23 : memref<72xi32, #tpu.memory_space<vmem>>) semaphore(%arg10 : memref<!tpu.dma_semaphore, #tpu.memory_space<semaphore_mem>>)
    %scan3A_27 = arith.constant 0 : i32
    %scan3A_28 = arith.constant 0 : i32
    %scan3A_29 = arith.constant 63 : i32
    %scan3A_30 = arith.addi %scan3A_28, %scan3A_29 : i32
    %scan3A_31 = arith.constant 1 : i32
    scf.for %scan3A_218 = %scan3A_28 to %scan3A_30 step %scan3A_31  : i32 {
      %mul3A_219 = arith.constant 2 : i32
      %mul3A_220 = arith.muli %mul3A_219, %scan3A_218 : i32
      %add3A_221 = arith.constant 1 : i32
      %add3A_222 = arith.addi %mul3A_220, %add3A_221 : i32
      %dma_start3A_223 = arith.constant 0 : i32
      %dma_start3A_224 = arith.constant 0 : i32
      %dma_start3A_225 = tpu.memref_slice %arg8[%dma_start3A_223, %dma_start3A_224] : memref<200x32xf32, #tpu.memory_space<vmem>> -> memref<128x32xf32, #tpu.memory_space<vmem>>
      %dma_start3A_226 = arith.constant 0 : i32
      %dma_start3A_227 = tpu.memref_slice %arg6[%add3A_222, %dma_start3A_226] : memref<128x200xi32, #tpu.memory_space<vmem>> -> memref<1x128xi32, #tpu.memory_space<vmem>>
      %dma_start3A_228 = tpu.memref_squeeze %dma_start3A_227 : memref<1x128xi32, #tpu.memory_space<vmem>> -> memref<128xi32, #tpu.memory_space<vmem>>
      %dma_start3A_229 = arith.constant 0 : i32
      %dma_start3A_230 = arith.constant 0 : i32
      %dma_start3A_231 = tpu.memref_slice %arg2[%dma_start3A_229, %dma_start3A_230] : memref<1015808x32xf32, #tpu.memory_space<hbm>> -> memref<1015808x32xf32, #tpu.memory_space<hbm>>
      tpu.enqueue_indirect_dma source(%dma_start3A_231 : memref<1015808x32xf32, #tpu.memory_space<hbm>>) target(%dma_start3A_225 : memref<128x32xf32, #tpu.memory_space<vmem>>) offsets(%dma_start3A_228 : memref<128xi32, #tpu.memory_space<vmem>>) semaphore(%arg11 : memref<!tpu.dma_semaphore, #tpu.memory_space<semaphore_mem>>)
      %dma_start3A_232 = arith.constant 128 : i32
      %dma_start3A_233 = arith.constant 0 : i32
      %dma_start3A_234 = tpu.memref_slice %arg8[%dma_start3A_232, %dma_start3A_233] : memref<200x32xf32, #tpu.memory_space<vmem>> -> memref<72x32xf32, #tpu.memory_space<vmem>>
      %dma_start3A_235 = arith.constant 128 : i32
      %dma_start3A_236 = tpu.memref_slice %arg6[%add3A_222, %dma_start3A_235] : memref<128x200xi32, #tpu.memory_space<vmem>> -> memref<1x72xi32, #tpu.memory_space<vmem>>
      %dma_start3A_237 = tpu.memref_squeeze %dma_start3A_236 : memref<1x72xi32, #tpu.memory_space<vmem>> -> memref<72xi32, #tpu.memory_space<vmem>>
      %dma_start3A_238 = arith.constant 0 : i32
      %dma_start3A_239 = arith.constant 0 : i32
      %dma_start3A_240 = tpu.memref_slice %arg2[%dma_start3A_238, %dma_start3A_239] : memref<1015808x32xf32, #tpu.memory_space<hbm>> -> memref<1015808x32xf32, #tpu.memory_space<hbm>>
      tpu.enqueue_indirect_dma source(%dma_start3A_240 : memref<1015808x32xf32, #tpu.memory_space<hbm>>) target(%dma_start3A_234 : memref<72x32xf32, #tpu.memory_space<vmem>>) offsets(%dma_start3A_237 : memref<72xi32, #tpu.memory_space<vmem>>) semaphore(%arg11 : memref<!tpu.dma_semaphore, #tpu.memory_space<semaphore_mem>>)
      %dma_wait3A_241 = arith.constant 0 : i32
      %dma_wait3A_242 = arith.constant 0 : i32
      %dma_wait3A_243 = tpu.memref_slice %arg7[%dma_wait3A_241, %dma_wait3A_242] : memref<200x32xf32, #tpu.memory_space<vmem>> -> memref<128x32xf32, #tpu.memory_space<vmem>>
      %dma_wait3A_244 = arith.constant 0 : i32
      %dma_wait3A_245 = tpu.memref_slice %arg6[%mul3A_220, %dma_wait3A_244] : memref<128x200xi32, #tpu.memory_space<vmem>> -> memref<1x128xi32, #tpu.memory_space<vmem>>
      %dma_wait3A_246 = tpu.memref_squeeze %dma_wait3A_245 : memref<1x128xi32, #tpu.memory_space<vmem>> -> memref<128xi32, #tpu.memory_space<vmem>>
      %dma_wait3A_247 = arith.constant 0 : i32
      %dma_wait3A_248 = arith.constant 0 : i32
      %dma_wait3A_249 = tpu.memref_slice %arg2[%dma_wait3A_247, %dma_wait3A_248] : memref<1015808x32xf32, #tpu.memory_space<hbm>> -> memref<1015808x32xf32, #tpu.memory_space<hbm>>
      tpu.wait_indirect_dma semaphore(%arg10 : memref<!tpu.dma_semaphore, #tpu.memory_space<semaphore_mem>>) src(%dma_wait3A_249 : memref<1015808x32xf32, #tpu.memory_space<hbm>>) dst(%dma_wait3A_243 : memref<128x32xf32, #tpu.memory_space<vmem>>)
      %dma_wait3A_250 = arith.constant 128 : i32
      %dma_wait3A_251 = arith.constant 0 : i32
      %dma_wait3A_252 = tpu.memref_slice %arg7[%dma_wait3A_250, %dma_wait3A_251] : memref<200x32xf32, #tpu.memory_space<vmem>> -> memref<72x32xf32, #tpu.memory_space<vmem>>
      %dma_wait3A_253 = arith.constant 128 : i32
      %dma_wait3A_254 = tpu.memref_slice %arg6[%mul3A_220, %dma_wait3A_253] : memref<128x200xi32, #tpu.memory_space<vmem>> -> memref<1x72xi32, #tpu.memory_space<vmem>>
      %dma_wait3A_255 = tpu.memref_squeeze %dma_wait3A_254 : memref<1x72xi32, #tpu.memory_space<vmem>> -> memref<72xi32, #tpu.memory_space<vmem>>
      %dma_wait3A_256 = arith.constant 0 : i32
      %dma_wait3A_257 = arith.constant 0 : i32
      %dma_wait3A_258 = tpu.memref_slice %arg2[%dma_wait3A_256, %dma_wait3A_257] : memref<1015808x32xf32, #tpu.memory_space<hbm>> -> memref<1015808x32xf32, #tpu.memory_space<hbm>>
      tpu.wait_indirect_dma semaphore(%arg10 : memref<!tpu.dma_semaphore, #tpu.memory_space<semaphore_mem>>) src(%dma_wait3A_258 : memref<1015808x32xf32, #tpu.memory_space<hbm>>) dst(%dma_wait3A_252 : memref<72x32xf32, #tpu.memory_space<vmem>>)
      %broadcast_in_dim3A_259 = arith.constant 0.000000e+00 : f32
      %broadcast_in_dim3A_260 = vector.broadcast %broadcast_in_dim3A_259 : f32 to vector<16xf32>
      %broadcast_in_dim3A_261 = arith.constant 0.000000e+00 : f32
      %broadcast_in_dim3A_262 = vector.broadcast %broadcast_in_dim3A_261 : f32 to vector<16xf32>
      %broadcast_in_dim3A_263 = arith.constant 0.000000e+00 : f32
      %broadcast_in_dim3A_264 = vector.broadcast %broadcast_in_dim3A_263 : f32 to vector<16xf32>
      %broadcast_in_dim3A_265 = arith.constant 0.000000e+00 : f32
      %broadcast_in_dim3A_266 = vector.broadcast %broadcast_in_dim3A_265 : f32 to vector<16xf32>
      %broadcast_in_dim3A_267 = arith.constant 0.000000e+00 : f32
      %broadcast_in_dim3A_268 = vector.broadcast %broadcast_in_dim3A_267 : f32 to vector<16xf32>
      %broadcast_in_dim3A_269 = arith.constant 0.000000e+00 : f32
      %broadcast_in_dim3A_270 = vector.broadcast %broadcast_in_dim3A_269 : f32 to vector<16xf32>
      %broadcast_in_dim3A_271 = arith.constant 0.000000e+00 : f32
      %broadcast_in_dim3A_272 = vector.broadcast %broadcast_in_dim3A_271 : f32 to vector<16xf32>
      %broadcast_in_dim3A_273 = arith.constant 0.000000e+00 : f32
      %broadcast_in_dim3A_274 = vector.broadcast %broadcast_in_dim3A_273 : f32 to vector<16xf32>
      %broadcast_in_dim3A_275 = arith.constant 0.000000e+00 : f32
      %broadcast_in_dim3A_276 = vector.broadcast %broadcast_in_dim3A_275 : f32 to vector<16xf32>
      %broadcast_in_dim3A_277 = arith.constant 0.000000e+00 : f32
      %broadcast_in_dim3A_278 = vector.broadcast %broadcast_in_dim3A_277 : f32 to vector<16xf32>
      %broadcast_in_dim3A_279 = arith.constant 0.000000e+00 : f32
      %broadcast_in_dim3A_280 = vector.broadcast %broadcast_in_dim3A_279 : f32 to vector<16xf32>
      %broadcast_in_dim3A_281 = arith.constant 0.000000e+00 : f32
      %broadcast_in_dim3A_282 = vector.broadcast %broadcast_in_dim3A_281 : f32 to vector<16xf32>
      %broadcast_in_dim3A_283 = arith.constant 0.000000e+00 : f32
      %broadcast_in_dim3A_284 = vector.broadcast %broadcast_in_dim3A_283 : f32 to vector<16xf32>
      %broadcast_in_dim3A_285 = arith.constant 0.000000e+00 : f32
      %broadcast_in_dim3A_286 = vector.broadcast %broadcast_in_dim3A_285 : f32 to vector<16xf32>
      %broadcast_in_dim3A_287 = arith.constant 0.000000e+00 : f32
      %broadcast_in_dim3A_288 = vector.broadcast %broadcast_in_dim3A_287 : f32 to vector<16xf32>
      %broadcast_in_dim3A_289 = arith.constant 0.000000e+00 : f32
      %broadcast_in_dim3A_290 = vector.broadcast %broadcast_in_dim3A_289 : f32 to vector<16xf32>
      %scan3A_291 = arith.constant 0 : i32
      %scan3A_292 = arith.constant 25 : i32
      %scan3A_293 = arith.addi %scan3A_291, %scan3A_292 : i32
      %scan3A_294 = arith.constant 1 : i32
      %scan3A_295:16 = scf.for %scan3A_425 = %scan3A_291 to %scan3A_293 step %scan3A_294 iter_args(%scan3A_426 = %broadcast_in_dim3A_260, %scan3A_427 = %broadcast_in_dim3A_262, %scan3A_428 = %broadcast_in_dim3A_264, %scan3A_429 = %broadcast_in_dim3A_266, %scan3A_430 = %broadcast_in_dim3A_268, %scan3A_431 = %broadcast_in_dim3A_270, %scan3A_432 = %broadcast_in_dim3A_272, %scan3A_433 = %broadcast_in_dim3A_274, %scan3A_434 = %broadcast_in_dim3A_276, %scan3A_435 = %broadcast_in_dim3A_278, %scan3A_436 = %broadcast_in_dim3A_280, %scan3A_437 = %broadcast_in_dim3A_282, %scan3A_438 = %broadcast_in_dim3A_284, %scan3A_439 = %broadcast_in_dim3A_286, %scan3A_440 = %broadcast_in_dim3A_288, %scan3A_441 = %broadcast_in_dim3A_290) -> (vector<16xf32>, vector<16xf32>, vector<16xf32>, vector<16xf32>, vector<16xf32>, vector<16xf32>, vector<16xf32>, vector<16xf32>, vector<16xf32>, vector<16xf32>, vector<16xf32>, vector<16xf32>, vector<16xf32>, vector<16xf32>, vector<16xf32>, vector<16xf32>)  : i32 {
        %mul3A_442 = arith.constant 8 : i32
        %mul3A_443 = arith.muli %scan3A_425, %mul3A_442 : i32
        %add3A_444 = arith.constant 0 : i32
        %add3A_445 = arith.addi %mul3A_443, %add3A_444 : i32
        %get3A = arith.index_cast %add3A_445 : i32 to index
        %get3A_446 = arith.constant 0 : index
        %get3A_447 = tpu.vector_load %arg7[%get3A, %get3A_446] {strides = array<i32>} : memref<200x32xf32, #tpu.memory_space<vmem>>, vector<1x16xf32>,
        %get3A_448 = vector.shape_cast %get3A_447 : vector<1x16xf32> to vector<16xf32>
        %add3A_449 = arith.addf %scan3A_426, %get3A_448 : vector<16xf32>
        %get3A_450 = arith.index_cast %add3A_445 : i32 to index
        %get3A_451 = arith.constant 16 : index
        %get3A_452 = tpu.vector_load %arg7[%get3A_450, %get3A_451] {strides = array<i32>} : memref<200x32xf32, #tpu.memory_space<vmem>>, vector<1x16xf32>,
        %get3A_453 = vector.shape_cast %get3A_452 : vector<1x16xf32> to vector<16xf32>
        %add3A_454 = arith.addf %scan3A_427, %get3A_453 : vector<16xf32>
        %mul3A_455 = arith.constant 8 : i32
        %mul3A_456 = arith.muli %scan3A_425, %mul3A_455 : i32
        %add3A_457 = arith.constant 1 : i32
        %add3A_458 = arith.addi %mul3A_456, %add3A_457 : i32
        %get3A_459 = arith.index_cast %add3A_458 : i32 to index
        %get3A_460 = arith.constant 0 : index
        %get3A_461 = tpu.vector_load %arg7[%get3A_459, %get3A_460] {strides = array<i32>} : memref<200x32xf32, #tpu.memory_space<vmem>>, vector<1x16xf32>,
        %get3A_462 = vector.shape_cast %get3A_461 : vector<1x16xf32> to vector<16xf32>
        %add3A_463 = arith.addf %scan3A_428, %get3A_462 : vector<16xf32>
        %get3A_464 = arith.index_cast %add3A_458 : i32 to index
        %get3A_465 = arith.constant 16 : index
        %get3A_466 = tpu.vector_load %arg7[%get3A_464, %get3A_465] {strides = array<i32>} : memref<200x32xf32, #tpu.memory_space<vmem>>, vector<1x16xf32>,
        %get3A_467 = vector.shape_cast %get3A_466 : vector<1x16xf32> to vector<16xf32>
        %add3A_468 = arith.addf %scan3A_429, %get3A_467 : vector<16xf32>
        %mul3A_469 = arith.constant 8 : i32
        %mul3A_470 = arith.muli %scan3A_425, %mul3A_469 : i32
        %add3A_471 = arith.constant 2 : i32
        %add3A_472 = arith.addi %mul3A_470, %add3A_471 : i32
        %get3A_473 = arith.index_cast %add3A_472 : i32 to index
        %get3A_474 = arith.constant 0 : index
        %get3A_475 = tpu.vector_load %arg7[%get3A_473, %get3A_474] {strides = array<i32>} : memref<200x32xf32, #tpu.memory_space<vmem>>, vector<1x16xf32>,
        %get3A_476 = vector.shape_cast %get3A_475 : vector<1x16xf32> to vector<16xf32>
        %add3A_477 = arith.addf %scan3A_430, %get3A_476 : vector<16xf32>
        %get3A_478 = arith.index_cast %add3A_472 : i32 to index
        %get3A_479 = arith.constant 16 : index
        %get3A_480 = tpu.vector_load %arg7[%get3A_478, %get3A_479] {strides = array<i32>} : memref<200x32xf32, #tpu.memory_space<vmem>>, vector<1x16xf32>,
        %get3A_481 = vector.shape_cast %get3A_480 : vector<1x16xf32> to vector<16xf32>
        %add3A_482 = arith.addf %scan3A_431, %get3A_481 : vector<16xf32>
        %mul3A_483 = arith.constant 8 : i32
        %mul3A_484 = arith.muli %scan3A_425, %mul3A_483 : i32
        %add3A_485 = arith.constant 3 : i32
        %add3A_486 = arith.addi %mul3A_484, %add3A_485 : i32
        %get3A_487 = arith.index_cast %add3A_486 : i32 to index
        %get3A_488 = arith.constant 0 : index
        %get3A_489 = tpu.vector_load %arg7[%get3A_487, %get3A_488] {strides = array<i32>} : memref<200x32xf32, #tpu.memory_space<vmem>>, vector<1x16xf32>,
        %get3A_490 = vector.shape_cast %get3A_489 : vector<1x16xf32> to vector<16xf32>
        %add3A_491 = arith.addf %scan3A_432, %get3A_490 : vector<16xf32>
        %get3A_492 = arith.index_cast %add3A_486 : i32 to index
        %get3A_493 = arith.constant 16 : index
        %get3A_494 = tpu.vector_load %arg7[%get3A_492, %get3A_493] {strides = array<i32>} : memref<200x32xf32, #tpu.memory_space<vmem>>, vector<1x16xf32>,
        %get3A_495 = vector.shape_cast %get3A_494 : vector<1x16xf32> to vector<16xf32>
        %add3A_496 = arith.addf %scan3A_433, %get3A_495 : vector<16xf32>
        %mul3A_497 = arith.constant 8 : i32
        %mul3A_498 = arith.muli %scan3A_425, %mul3A_497 : i32
        %add3A_499 = arith.constant 4 : i32
        %add3A_500 = arith.addi %mul3A_498, %add3A_499 : i32
        %get3A_501 = arith.index_cast %add3A_500 : i32 to index
        %get3A_502 = arith.constant 0 : index
        %get3A_503 = tpu.vector_load %arg7[%get3A_501, %get3A_502] {strides = array<i32>} : memref<200x32xf32, #tpu.memory_space<vmem>>, vector<1x16xf32>,
        %get3A_504 = vector.shape_cast %get3A_503 : vector<1x16xf32> to vector<16xf32>
        %add3A_505 = arith.addf %scan3A_434, %get3A_504 : vector<16xf32>
        %get3A_506 = arith.index_cast %add3A_500 : i32 to index
        %get3A_507 = arith.constant 16 : index
        %get3A_508 = tpu.vector_load %arg7[%get3A_506, %get3A_507] {strides = array<i32>} : memref<200x32xf32, #tpu.memory_space<vmem>>, vector<1x16xf32>,
        %get3A_509 = vector.shape_cast %get3A_508 : vector<1x16xf32> to vector<16xf32>
        %add3A_510 = arith.addf %scan3A_435, %get3A_509 : vector<16xf32>
        %mul3A_511 = arith.constant 8 : i32
        %mul3A_512 = arith.muli %scan3A_425, %mul3A_511 : i32
        %add3A_513 = arith.constant 5 : i32
        %add3A_514 = arith.addi %mul3A_512, %add3A_513 : i32
        %get3A_515 = arith.index_cast %add3A_514 : i32 to index
        %get3A_516 = arith.constant 0 : index
        %get3A_517 = tpu.vector_load %arg7[%get3A_515, %get3A_516] {strides = array<i32>} : memref<200x32xf32, #tpu.memory_space<vmem>>, vector<1x16xf32>,
        %get3A_518 = vector.shape_cast %get3A_517 : vector<1x16xf32> to vector<16xf32>
        %add3A_519 = arith.addf %scan3A_436, %get3A_518 : vector<16xf32>
        %get3A_520 = arith.index_cast %add3A_514 : i32 to index
        %get3A_521 = arith.constant 16 : index
        %get3A_522 = tpu.vector_load %arg7[%get3A_520, %get3A_521] {strides = array<i32>} : memref<200x32xf32, #tpu.memory_space<vmem>>, vector<1x16xf32>,
        %get3A_523 = vector.shape_cast %get3A_522 : vector<1x16xf32> to vector<16xf32>
        %add3A_524 = arith.addf %scan3A_437, %get3A_523 : vector<16xf32>
        %mul3A_525 = arith.constant 8 : i32
        %mul3A_526 = arith.muli %scan3A_425, %mul3A_525 : i32
        %add3A_527 = arith.constant 6 : i32
        %add3A_528 = arith.addi %mul3A_526, %add3A_527 : i32
        %get3A_529 = arith.index_cast %add3A_528 : i32 to index
        %get3A_530 = arith.constant 0 : index
        %get3A_531 = tpu.vector_load %arg7[%get3A_529, %get3A_530] {strides = array<i32>} : memref<200x32xf32, #tpu.memory_space<vmem>>, vector<1x16xf32>,
        %get3A_532 = vector.shape_cast %get3A_531 : vector<1x16xf32> to vector<16xf32>
        %add3A_533 = arith.addf %scan3A_438, %get3A_532 : vector<16xf32>
        %get3A_534 = arith.index_cast %add3A_528 : i32 to index
        %get3A_535 = arith.constant 16 : index
        %get3A_536 = tpu.vector_load %arg7[%get3A_534, %get3A_535] {strides = array<i32>} : memref<200x32xf32, #tpu.memory_space<vmem>>, vector<1x16xf32>,
        %get3A_537 = vector.shape_cast %get3A_536 : vector<1x16xf32> to vector<16xf32>
        %add3A_538 = arith.addf %scan3A_439, %get3A_537 : vector<16xf32>
        %mul3A_539 = arith.constant 8 : i32
        %mul3A_540 = arith.muli %scan3A_425, %mul3A_539 : i32
        %add3A_541 = arith.constant 7 : i32
        %add3A_542 = arith.addi %mul3A_540, %add3A_541 : i32
        %get3A_543 = arith.index_cast %add3A_542 : i32 to index
        %get3A_544 = arith.constant 0 : index
        %get3A_545 = tpu.vector_load %arg7[%get3A_543, %get3A_544] {strides = array<i32>} : memref<200x32xf32, #tpu.memory_space<vmem>>, vector<1x16xf32>,
        %get3A_546 = vector.shape_cast %get3A_545 : vector<1x16xf32> to vector<16xf32>
        %add3A_547 = arith.addf %scan3A_440, %get3A_546 : vector<16xf32>
        %get3A_548 = arith.index_cast %add3A_542 : i32 to index
        %get3A_549 = arith.constant 16 : index
        %get3A_550 = tpu.vector_load %arg7[%get3A_548, %get3A_549] {strides = array<i32>} : memref<200x32xf32, #tpu.memory_space<vmem>>, vector<1x16xf32>,
        %get3A_551 = vector.shape_cast %get3A_550 : vector<1x16xf32> to vector<16xf32>
        %add3A_552 = arith.addf %scan3A_441, %get3A_551 : vector<16xf32>
        scf.yield %add3A_449, %add3A_454, %add3A_463, %add3A_468, %add3A_477, %add3A_482, %add3A_491, %add3A_496, %add3A_505, %add3A_510, %add3A_519, %add3A_524, %add3A_533, %add3A_538, %add3A_547, %add3A_552 : vector<16xf32>, vector<16xf32>, vector<16xf32>, vector<16xf32>, vector<16xf32>, vector<16xf32>, vector<16xf32>, vector<16xf32>, vector<16xf32>, vector<16xf32>, vector<16xf32>, vector<16xf32>, vector<16xf32>, vector<16xf32>, vector<16xf32>, vector<16xf32>
      }
      %scan3A_296 = arith.constant 25 : i32
      %add3A_297 = arith.addf %scan3A_295#0, %scan3A_295#2 : vector<16xf32>
      %add3A_298 = arith.addf %scan3A_295#1, %scan3A_295#3 : vector<16xf32>
      %add3A_299 = arith.addf %add3A_297, %scan3A_295#4 : vector<16xf32>
      %add3A_300 = arith.addf %add3A_298, %scan3A_295#5 : vector<16xf32>
      %add3A_301 = arith.addf %add3A_299, %scan3A_295#6 : vector<16xf32>
      %add3A_302 = arith.addf %add3A_300, %scan3A_295#7 : vector<16xf32>
      %add3A_303 = arith.addf %add3A_301, %scan3A_295#8 : vector<16xf32>
      %add3A_304 = arith.addf %add3A_302, %scan3A_295#9 : vector<16xf32>
      %add3A_305 = arith.addf %add3A_303, %scan3A_295#10 : vector<16xf32>
      %add3A_306 = arith.addf %add3A_304, %scan3A_295#11 : vector<16xf32>
      %add3A_307 = arith.addf %add3A_305, %scan3A_295#12 : vector<16xf32>
      %add3A_308 = arith.addf %add3A_306, %scan3A_295#13 : vector<16xf32>
      %add3A_309 = arith.addf %add3A_307, %scan3A_295#14 : vector<16xf32>
      %add3A_310 = arith.addf %add3A_308, %scan3A_295#15 : vector<16xf32>
      %swap3A_311 = arith.index_cast %mul3A_220 : i32 to index
      %swap3A_312 = arith.constant 0 : index
      %swap3A_313 = tpu.vector_load %arg9[%swap3A_311, %swap3A_312] {strides = array<i32>} : memref<128x32xf32, #tpu.memory_space<vmem>>, vector<1x16xf32>,
      %swap3A_314 = vector.shape_cast %swap3A_313 : vector<1x16xf32> to vector<16xf32>
      %swap3A_315 = vector.shape_cast %add3A_309 : vector<16xf32> to vector<1x16xf32>
      tpu.vector_store %arg9[%swap3A_311, %swap3A_312], %swap3A_315 {strides = array<i32>} : memref<128x32xf32, #tpu.memory_space<vmem>>, vector<1x16xf32>,
      %swap3A_316 = arith.index_cast %mul3A_220 : i32 to index
      %swap3A_317 = arith.constant 16 : index
      %swap3A_318 = tpu.vector_load %arg9[%swap3A_316, %swap3A_317] {strides = array<i32>} : memref<128x32xf32, #tpu.memory_space<vmem>>, vector<1x16xf32>,
      %swap3A_319 = vector.shape_cast %swap3A_318 : vector<1x16xf32> to vector<16xf32>
      %swap3A_320 = vector.shape_cast %add3A_310 : vector<16xf32> to vector<1x16xf32>
      tpu.vector_store %arg9[%swap3A_316, %swap3A_317], %swap3A_320 {strides = array<i32>} : memref<128x32xf32, #tpu.memory_space<vmem>>, vector<1x16xf32>,
      %add3A_321 = arith.constant 2 : i32
      %add3A_322 = arith.addi %mul3A_220, %add3A_321 : i32
      %dma_start3A_323 = arith.constant 0 : i32
      %dma_start3A_324 = arith.constant 0 : i32
      %dma_start3A_325 = tpu.memref_slice %arg7[%dma_start3A_323, %dma_start3A_324] : memref<200x32xf32, #tpu.memory_space<vmem>> -> memref<128x32xf32, #tpu.memory_space<vmem>>
      %dma_start3A_326 = arith.constant 0 : i32
      %dma_start3A_327 = tpu.memref_slice %arg6[%add3A_322, %dma_start3A_326] : memref<128x200xi32, #tpu.memory_space<vmem>> -> memref<1x128xi32, #tpu.memory_space<vmem>>
      %dma_start3A_328 = tpu.memref_squeeze %dma_start3A_327 : memref<1x128xi32, #tpu.memory_space<vmem>> -> memref<128xi32, #tpu.memory_space<vmem>>
      %dma_start3A_329 = arith.constant 0 : i32
      %dma_start3A_330 = arith.constant 0 : i32
      %dma_start3A_331 = tpu.memref_slice %arg2[%dma_start3A_329, %dma_start3A_330] : memref<1015808x32xf32, #tpu.memory_space<hbm>> -> memref<1015808x32xf32, #tpu.memory_space<hbm>>
      tpu.enqueue_indirect_dma source(%dma_start3A_331 : memref<1015808x32xf32, #tpu.memory_space<hbm>>) target(%dma_start3A_325 : memref<128x32xf32, #tpu.memory_space<vmem>>) offsets(%dma_start3A_328 : memref<128xi32, #tpu.memory_space<vmem>>) semaphore(%arg10 : memref<!tpu.dma_semaphore, #tpu.memory_space<semaphore_mem>>)
      %dma_start3A_332 = arith.constant 128 : i32
      %dma_start3A_333 = arith.constant 0 : i32
      %dma_start3A_334 = tpu.memref_slice %arg7[%dma_start3A_332, %dma_start3A_333] : memref<200x32xf32, #tpu.memory_space<vmem>> -> memref<72x32xf32, #tpu.memory_space<vmem>>
      %dma_start3A_335 = arith.constant 128 : i32
      %dma_start3A_336 = tpu.memref_slice %arg6[%add3A_322, %dma_start3A_335] : memref<128x200xi32, #tpu.memory_space<vmem>> -> memref<1x72xi32, #tpu.memory_space<vmem>>
      %dma_start3A_337 = tpu.memref_squeeze %dma_start3A_336 : memref<1x72xi32, #tpu.memory_space<vmem>> -> memref<72xi32, #tpu.memory_space<vmem>>
      %dma_start3A_338 = arith.constant 0 : i32
      %dma_start3A_339 = arith.constant 0 : i32
      %dma_start3A_340 = tpu.memref_slice %arg2[%dma_start3A_338, %dma_start3A_339] : memref<1015808x32xf32, #tpu.memory_space<hbm>> -> memref<1015808x32xf32, #tpu.memory_space<hbm>>
      tpu.enqueue_indirect_dma source(%dma_start3A_340 : memref<1015808x32xf32, #tpu.memory_space<hbm>>) target(%dma_start3A_334 : memref<72x32xf32, #tpu.memory_space<vmem>>) offsets(%dma_start3A_337 : memref<72xi32, #tpu.memory_space<vmem>>) semaphore(%arg10 : memref<!tpu.dma_semaphore, #tpu.memory_space<semaphore_mem>>)
      %add3A_341 = arith.constant 1 : i32
      %add3A_342 = arith.addi %mul3A_220, %add3A_341 : i32
      %dma_wait3A_343 = arith.constant 0 : i32
      %dma_wait3A_344 = arith.constant 0 : i32
      %dma_wait3A_345 = tpu.memref_slice %arg8[%dma_wait3A_343, %dma_wait3A_344] : memref<200x32xf32, #tpu.memory_space<vmem>> -> memref<128x32xf32, #tpu.memory_space<vmem>>
      %dma_wait3A_346 = arith.constant 0 : i32
      %dma_wait3A_347 = tpu.memref_slice %arg6[%add3A_342, %dma_wait3A_346] : memref<128x200xi32, #tpu.memory_space<vmem>> -> memref<1x128xi32, #tpu.memory_space<vmem>>
      %dma_wait3A_348 = tpu.memref_squeeze %dma_wait3A_347 : memref<1x128xi32, #tpu.memory_space<vmem>> -> memref<128xi32, #tpu.memory_space<vmem>>
      %dma_wait3A_349 = arith.constant 0 : i32
      %dma_wait3A_350 = arith.constant 0 : i32
      %dma_wait3A_351 = tpu.memref_slice %arg2[%dma_wait3A_349, %dma_wait3A_350] : memref<1015808x32xf32, #tpu.memory_space<hbm>> -> memref<1015808x32xf32, #tpu.memory_space<hbm>>
      tpu.wait_indirect_dma semaphore(%arg11 : memref<!tpu.dma_semaphore, #tpu.memory_space<semaphore_mem>>) src(%dma_wait3A_351 : memref<1015808x32xf32, #tpu.memory_space<hbm>>) dst(%dma_wait3A_345 : memref<128x32xf32, #tpu.memory_space<vmem>>)
      %dma_wait3A_352 = arith.constant 128 : i32
      %dma_wait3A_353 = arith.constant 0 : i32
      %dma_wait3A_354 = tpu.memref_slice %arg8[%dma_wait3A_352, %dma_wait3A_353] : memref<200x32xf32, #tpu.memory_space<vmem>> -> memref<72x32xf32, #tpu.memory_space<vmem>>
      %dma_wait3A_355 = arith.constant 128 : i32
      %dma_wait3A_356 = tpu.memref_slice %arg6[%add3A_342, %dma_wait3A_355] : memref<128x200xi32, #tpu.memory_space<vmem>> -> memref<1x72xi32, #tpu.memory_space<vmem>>
      %dma_wait3A_357 = tpu.memref_squeeze %dma_wait3A_356 : memref<1x72xi32, #tpu.memory_space<vmem>> -> memref<72xi32, #tpu.memory_space<vmem>>
      %dma_wait3A_358 = arith.constant 0 : i32
      %dma_wait3A_359 = arith.constant 0 : i32
      %dma_wait3A_360 = tpu.memref_slice %arg2[%dma_wait3A_358, %dma_wait3A_359] : memref<1015808x32xf32, #tpu.memory_space<hbm>> -> memref<1015808x32xf32, #tpu.memory_space<hbm>>
      tpu.wait_indirect_dma semaphore(%arg11 : memref<!tpu.dma_semaphore, #tpu.memory_space<semaphore_mem>>) src(%dma_wait3A_360 : memref<1015808x32xf32, #tpu.memory_space<hbm>>) dst(%dma_wait3A_354 : memref<72x32xf32, #tpu.memory_space<vmem>>)
      %add3A_361 = arith.constant 1 : i32
      %add3A_362 = arith.addi %mul3A_220, %add3A_361 : i32
      %broadcast_in_dim3A_363 = arith.constant 0.000000e+00 : f32
      %broadcast_in_dim3A_364 = vector.broadcast %broadcast_in_dim3A_363 : f32 to vector<16xf32>
      %broadcast_in_dim3A_365 = arith.constant 0.000000e+00 : f32
      %broadcast_in_dim3A_366 = vector.broadcast %broadcast_in_dim3A_365 : f32 to vector<16xf32>
      %broadcast_in_dim3A_367 = arith.constant 0.000000e+00 : f32
      %broadcast_in_dim3A_368 = vector.broadcast %broadcast_in_dim3A_367 : f32 to vector<16xf32>
      %broadcast_in_dim3A_369 = arith.constant 0.000000e+00 : f32
      %broadcast_in_dim3A_370 = vector.broadcast %broadcast_in_dim3A_369 : f32 to vector<16xf32>
      %broadcast_in_dim3A_371 = arith.constant 0.000000e+00 : f32
      %broadcast_in_dim3A_372 = vector.broadcast %broadcast_in_dim3A_371 : f32 to vector<16xf32>
      %broadcast_in_dim3A_373 = arith.constant 0.000000e+00 : f32
      %broadcast_in_dim3A_374 = vector.broadcast %broadcast_in_dim3A_373 : f32 to vector<16xf32>
      %broadcast_in_dim3A_375 = arith.constant 0.000000e+00 : f32
      %broadcast_in_dim3A_376 = vector.broadcast %broadcast_in_dim3A_375 : f32 to vector<16xf32>
      %broadcast_in_dim3A_377 = arith.constant 0.000000e+00 : f32
      %broadcast_in_dim3A_378 = vector.broadcast %broadcast_in_dim3A_377 : f32 to vector<16xf32>
      %broadcast_in_dim3A_379 = arith.constant 0.000000e+00 : f32
      %broadcast_in_dim3A_380 = vector.broadcast %broadcast_in_dim3A_379 : f32 to vector<16xf32>
      %broadcast_in_dim3A_381 = arith.constant 0.000000e+00 : f32
      %broadcast_in_dim3A_382 = vector.broadcast %broadcast_in_dim3A_381 : f32 to vector<16xf32>
      %broadcast_in_dim3A_383 = arith.constant 0.000000e+00 : f32
      %broadcast_in_dim3A_384 = vector.broadcast %broadcast_in_dim3A_383 : f32 to vector<16xf32>
      %broadcast_in_dim3A_385 = arith.constant 0.000000e+00 : f32
      %broadcast_in_dim3A_386 = vector.broadcast %broadcast_in_dim3A_385 : f32 to vector<16xf32>
      %broadcast_in_dim3A_387 = arith.constant 0.000000e+00 : f32
      %broadcast_in_dim3A_388 = vector.broadcast %broadcast_in_dim3A_387 : f32 to vector<16xf32>
      %broadcast_in_dim3A_389 = arith.constant 0.000000e+00 : f32
      %broadcast_in_dim3A_390 = vector.broadcast %broadcast_in_dim3A_389 : f32 to vector<16xf32>
      %broadcast_in_dim3A_391 = arith.constant 0.000000e+00 : f32
      %broadcast_in_dim3A_392 = vector.broadcast %broadcast_in_dim3A_391 : f32 to vector<16xf32>
      %broadcast_in_dim3A_393 = arith.constant 0.000000e+00 : f32
      %broadcast_in_dim3A_394 = vector.broadcast %broadcast_in_dim3A_393 : f32 to vector<16xf32>
      %scan3A_395 = arith.constant 0 : i32
      %scan3A_396 = arith.constant 25 : i32
      %scan3A_397 = arith.addi %scan3A_395, %scan3A_396 : i32
      %scan3A_398 = arith.constant 1 : i32
      %scan3A_399:16 = scf.for %scan3A_425 = %scan3A_395 to %scan3A_397 step %scan3A_398 iter_args(%scan3A_426 = %broadcast_in_dim3A_364, %scan3A_427 = %broadcast_in_dim3A_366, %scan3A_428 = %broadcast_in_dim3A_368, %scan3A_429 = %broadcast_in_dim3A_370, %scan3A_430 = %broadcast_in_dim3A_372, %scan3A_431 = %broadcast_in_dim3A_374, %scan3A_432 = %broadcast_in_dim3A_376, %scan3A_433 = %broadcast_in_dim3A_378, %scan3A_434 = %broadcast_in_dim3A_380, %scan3A_435 = %broadcast_in_dim3A_382, %scan3A_436 = %broadcast_in_dim3A_384, %scan3A_437 = %broadcast_in_dim3A_386, %scan3A_438 = %broadcast_in_dim3A_388, %scan3A_439 = %broadcast_in_dim3A_390, %scan3A_440 = %broadcast_in_dim3A_392, %scan3A_441 = %broadcast_in_dim3A_394) -> (vector<16xf32>, vector<16xf32>, vector<16xf32>, vector<16xf32>, vector<16xf32>, vector<16xf32>, vector<16xf32>, vector<16xf32>, vector<16xf32>, vector<16xf32>, vector<16xf32>, vector<16xf32>, vector<16xf32>, vector<16xf32>, vector<16xf32>, vector<16xf32>)  : i32 {
        %mul3A_442 = arith.constant 8 : i32
        %mul3A_443 = arith.muli %scan3A_425, %mul3A_442 : i32
        %add3A_444 = arith.constant 0 : i32
        %add3A_445 = arith.addi %mul3A_443, %add3A_444 : i32
        %get3A = arith.index_cast %add3A_445 : i32 to index
        %get3A_446 = arith.constant 0 : index
        %get3A_447 = tpu.vector_load %arg8[%get3A, %get3A_446] {strides = array<i32>} : memref<200x32xf32, #tpu.memory_space<vmem>>, vector<1x16xf32>,
        %get3A_448 = vector.shape_cast %get3A_447 : vector<1x16xf32> to vector<16xf32>
        %add3A_449 = arith.addf %scan3A_426, %get3A_448 : vector<16xf32>
        %get3A_450 = arith.index_cast %add3A_445 : i32 to index
        %get3A_451 = arith.constant 16 : index
        %get3A_452 = tpu.vector_load %arg8[%get3A_450, %get3A_451] {strides = array<i32>} : memref<200x32xf32, #tpu.memory_space<vmem>>, vector<1x16xf32>,
        %get3A_453 = vector.shape_cast %get3A_452 : vector<1x16xf32> to vector<16xf32>
        %add3A_454 = arith.addf %scan3A_427, %get3A_453 : vector<16xf32>
        %mul3A_455 = arith.constant 8 : i32
        %mul3A_456 = arith.muli %scan3A_425, %mul3A_455 : i32
        %add3A_457 = arith.constant 1 : i32
        %add3A_458 = arith.addi %mul3A_456, %add3A_457 : i32
        %get3A_459 = arith.index_cast %add3A_458 : i32 to index
        %get3A_460 = arith.constant 0 : index
        %get3A_461 = tpu.vector_load %arg8[%get3A_459, %get3A_460] {strides = array<i32>} : memref<200x32xf32, #tpu.memory_space<vmem>>, vector<1x16xf32>,
        %get3A_462 = vector.shape_cast %get3A_461 : vector<1x16xf32> to vector<16xf32>
        %add3A_463 = arith.addf %scan3A_428, %get3A_462 : vector<16xf32>
        %get3A_464 = arith.index_cast %add3A_458 : i32 to index
        %get3A_465 = arith.constant 16 : index
        %get3A_466 = tpu.vector_load %arg8[%get3A_464, %get3A_465] {strides = array<i32>} : memref<200x32xf32, #tpu.memory_space<vmem>>, vector<1x16xf32>,
        %get3A_467 = vector.shape_cast %get3A_466 : vector<1x16xf32> to vector<16xf32>
        %add3A_468 = arith.addf %scan3A_429, %get3A_467 : vector<16xf32>
        %mul3A_469 = arith.constant 8 : i32
        %mul3A_470 = arith.muli %scan3A_425, %mul3A_469 : i32
        %add3A_471 = arith.constant 2 : i32
        %add3A_472 = arith.addi %mul3A_470, %add3A_471 : i32
        %get3A_473 = arith.index_cast %add3A_472 : i32 to index
        %get3A_474 = arith.constant 0 : index
        %get3A_475 = tpu.vector_load %arg8[%get3A_473, %get3A_474] {strides = array<i32>} : memref<200x32xf32, #tpu.memory_space<vmem>>, vector<1x16xf32>,
        %get3A_476 = vector.shape_cast %get3A_475 : vector<1x16xf32> to vector<16xf32>
        %add3A_477 = arith.addf %scan3A_430, %get3A_476 : vector<16xf32>
        %get3A_478 = arith.index_cast %add3A_472 : i32 to index
        %get3A_479 = arith.constant 16 : index
        %get3A_480 = tpu.vector_load %arg8[%get3A_478, %get3A_479] {strides = array<i32>} : memref<200x32xf32, #tpu.memory_space<vmem>>, vector<1x16xf32>,
        %get3A_481 = vector.shape_cast %get3A_480 : vector<1x16xf32> to vector<16xf32>
        %add3A_482 = arith.addf %scan3A_431, %get3A_481 : vector<16xf32>
        %mul3A_483 = arith.constant 8 : i32
        %mul3A_484 = arith.muli %scan3A_425, %mul3A_483 : i32
        %add3A_485 = arith.constant 3 : i32
        %add3A_486 = arith.addi %mul3A_484, %add3A_485 : i32
        %get3A_487 = arith.index_cast %add3A_486 : i32 to index
        %get3A_488 = arith.constant 0 : index
        %get3A_489 = tpu.vector_load %arg8[%get3A_487, %get3A_488] {strides = array<i32>} : memref<200x32xf32, #tpu.memory_space<vmem>>, vector<1x16xf32>,
        %get3A_490 = vector.shape_cast %get3A_489 : vector<1x16xf32> to vector<16xf32>
        %add3A_491 = arith.addf %scan3A_432, %get3A_490 : vector<16xf32>
        %get3A_492 = arith.index_cast %add3A_486 : i32 to index
        %get3A_493 = arith.constant 16 : index
        %get3A_494 = tpu.vector_load %arg8[%get3A_492, %get3A_493] {strides = array<i32>} : memref<200x32xf32, #tpu.memory_space<vmem>>, vector<1x16xf32>,
        %get3A_495 = vector.shape_cast %get3A_494 : vector<1x16xf32> to vector<16xf32>
        %add3A_496 = arith.addf %scan3A_433, %get3A_495 : vector<16xf32>
        %mul3A_497 = arith.constant 8 : i32
        %mul3A_498 = arith.muli %scan3A_425, %mul3A_497 : i32
        %add3A_499 = arith.constant 4 : i32
        %add3A_500 = arith.addi %mul3A_498, %add3A_499 : i32
        %get3A_501 = arith.index_cast %add3A_500 : i32 to index
        %get3A_502 = arith.constant 0 : index
        %get3A_503 = tpu.vector_load %arg8[%get3A_501, %get3A_502] {strides = array<i32>} : memref<200x32xf32, #tpu.memory_space<vmem>>, vector<1x16xf32>,
        %get3A_504 = vector.shape_cast %get3A_503 : vector<1x16xf32> to vector<16xf32>
        %add3A_505 = arith.addf %scan3A_434, %get3A_504 : vector<16xf32>
        %get3A_506 = arith.index_cast %add3A_500 : i32 to index
        %get3A_507 = arith.constant 16 : index
        %get3A_508 = tpu.vector_load %arg8[%get3A_506, %get3A_507] {strides = array<i32>} : memref<200x32xf32, #tpu.memory_space<vmem>>, vector<1x16xf32>,
        %get3A_509 = vector.shape_cast %get3A_508 : vector<1x16xf32> to vector<16xf32>
        %add3A_510 = arith.addf %scan3A_435, %get3A_509 : vector<16xf32>
        %mul3A_511 = arith.constant 8 : i32
        %mul3A_512 = arith.muli %scan3A_425, %mul3A_511 : i32
        %add3A_513 = arith.constant 5 : i32
        %add3A_514 = arith.addi %mul3A_512, %add3A_513 : i32
        %get3A_515 = arith.index_cast %add3A_514 : i32 to index
        %get3A_516 = arith.constant 0 : index
        %get3A_517 = tpu.vector_load %arg8[%get3A_515, %get3A_516] {strides = array<i32>} : memref<200x32xf32, #tpu.memory_space<vmem>>, vector<1x16xf32>,
        %get3A_518 = vector.shape_cast %get3A_517 : vector<1x16xf32> to vector<16xf32>
        %add3A_519 = arith.addf %scan3A_436, %get3A_518 : vector<16xf32>
        %get3A_520 = arith.index_cast %add3A_514 : i32 to index
        %get3A_521 = arith.constant 16 : index
        %get3A_522 = tpu.vector_load %arg8[%get3A_520, %get3A_521] {strides = array<i32>} : memref<200x32xf32, #tpu.memory_space<vmem>>, vector<1x16xf32>,
        %get3A_523 = vector.shape_cast %get3A_522 : vector<1x16xf32> to vector<16xf32>
        %add3A_524 = arith.addf %scan3A_437, %get3A_523 : vector<16xf32>
        %mul3A_525 = arith.constant 8 : i32
        %mul3A_526 = arith.muli %scan3A_425, %mul3A_525 : i32
        %add3A_527 = arith.constant 6 : i32
        %add3A_528 = arith.addi %mul3A_526, %add3A_527 : i32
        %get3A_529 = arith.index_cast %add3A_528 : i32 to index
        %get3A_530 = arith.constant 0 : index
        %get3A_531 = tpu.vector_load %arg8[%get3A_529, %get3A_530] {strides = array<i32>} : memref<200x32xf32, #tpu.memory_space<vmem>>, vector<1x16xf32>,
        %get3A_532 = vector.shape_cast %get3A_531 : vector<1x16xf32> to vector<16xf32>
        %add3A_533 = arith.addf %scan3A_438, %get3A_532 : vector<16xf32>
        %get3A_534 = arith.index_cast %add3A_528 : i32 to index
        %get3A_535 = arith.constant 16 : index
        %get3A_536 = tpu.vector_load %arg8[%get3A_534, %get3A_535] {strides = array<i32>} : memref<200x32xf32, #tpu.memory_space<vmem>>, vector<1x16xf32>,
        %get3A_537 = vector.shape_cast %get3A_536 : vector<1x16xf32> to vector<16xf32>
        %add3A_538 = arith.addf %scan3A_439, %get3A_537 : vector<16xf32>
        %mul3A_539 = arith.constant 8 : i32
        %mul3A_540 = arith.muli %scan3A_425, %mul3A_539 : i32
        %add3A_541 = arith.constant 7 : i32
        %add3A_542 = arith.addi %mul3A_540, %add3A_541 : i32
        %get3A_543 = arith.index_cast %add3A_542 : i32 to index
        %get3A_544 = arith.constant 0 : index
        %get3A_545 = tpu.vector_load %arg8[%get3A_543, %get3A_544] {strides = array<i32>} : memref<200x32xf32, #tpu.memory_space<vmem>>, vector<1x16xf32>,
        %get3A_546 = vector.shape_cast %get3A_545 : vector<1x16xf32> to vector<16xf32>
        %add3A_547 = arith.addf %scan3A_440, %get3A_546 : vector<16xf32>
        %get3A_548 = arith.index_cast %add3A_542 : i32 to index
        %get3A_549 = arith.constant 16 : index
        %get3A_550 = tpu.vector_load %arg8[%get3A_548, %get3A_549] {strides = array<i32>} : memref<200x32xf32, #tpu.memory_space<vmem>>, vector<1x16xf32>,
        %get3A_551 = vector.shape_cast %get3A_550 : vector<1x16xf32> to vector<16xf32>
        %add3A_552 = arith.addf %scan3A_441, %get3A_551 : vector<16xf32>
        scf.yield %add3A_449, %add3A_454, %add3A_463, %add3A_468, %add3A_477, %add3A_482, %add3A_491, %add3A_496, %add3A_505, %add3A_510, %add3A_519, %add3A_524, %add3A_533, %add3A_538, %add3A_547, %add3A_552 : vector<16xf32>, vector<16xf32>, vector<16xf32>, vector<16xf32>, vector<16xf32>, vector<16xf32>, vector<16xf32>, vector<16xf32>, vector<16xf32>, vector<16xf32>, vector<16xf32>, vector<16xf32>, vector<16xf32>, vector<16xf32>, vector<16xf32>, vector<16xf32>
      }
      %scan3A_400 = arith.constant 25 : i32
      %add3A_401 = arith.addf %scan3A_399#0, %scan3A_399#2 : vector<16xf32>
      %add3A_402 = arith.addf %scan3A_399#1, %scan3A_399#3 : vector<16xf32>
      %add3A_403 = arith.addf %add3A_401, %scan3A_399#4 : vector<16xf32>
      %add3A_404 = arith.addf %add3A_402, %scan3A_399#5 : vector<16xf32>
      %add3A_405 = arith.addf %add3A_403, %scan3A_399#6 : vector<16xf32>
      %add3A_406 = arith.addf %add3A_404, %scan3A_399#7 : vector<16xf32>
      %add3A_407 = arith.addf %add3A_405, %scan3A_399#8 : vector<16xf32>
      %add3A_408 = arith.addf %add3A_406, %scan3A_399#9 : vector<16xf32>
      %add3A_409 = arith.addf %add3A_407, %scan3A_399#10 : vector<16xf32>
      %add3A_410 = arith.addf %add3A_408, %scan3A_399#11 : vector<16xf32>
      %add3A_411 = arith.addf %add3A_409, %scan3A_399#12 : vector<16xf32>
      %add3A_412 = arith.addf %add3A_410, %scan3A_399#13 : vector<16xf32>
      %add3A_413 = arith.addf %add3A_411, %scan3A_399#14 : vector<16xf32>
      %add3A_414 = arith.addf %add3A_412, %scan3A_399#15 : vector<16xf32>
      %swap3A_415 = arith.index_cast %add3A_362 : i32 to index
      %swap3A_416 = arith.constant 0 : index
      %swap3A_417 = tpu.vector_load %arg9[%swap3A_415, %swap3A_416] {strides = array<i32>} : memref<128x32xf32, #tpu.memory_space<vmem>>, vector<1x16xf32>,
      %swap3A_418 = vector.shape_cast %swap3A_417 : vector<1x16xf32> to vector<16xf32>
      %swap3A_419 = vector.shape_cast %add3A_413 : vector<16xf32> to vector<1x16xf32>
      tpu.vector_store %arg9[%swap3A_415, %swap3A_416], %swap3A_419 {strides = array<i32>} : memref<128x32xf32, #tpu.memory_space<vmem>>, vector<1x16xf32>,
      %swap3A_420 = arith.index_cast %add3A_362 : i32 to index
      %swap3A_421 = arith.constant 16 : index
      %swap3A_422 = tpu.vector_load %arg9[%swap3A_420, %swap3A_421] {strides = array<i32>} : memref<128x32xf32, #tpu.memory_space<vmem>>, vector<1x16xf32>,
      %swap3A_423 = vector.shape_cast %swap3A_422 : vector<1x16xf32> to vector<16xf32>
      %swap3A_424 = vector.shape_cast %add3A_414 : vector<16xf32> to vector<1x16xf32>
      tpu.vector_store %arg9[%swap3A_420, %swap3A_421], %swap3A_424 {strides = array<i32>} : memref<128x32xf32, #tpu.memory_space<vmem>>, vector<1x16xf32>,
    }
    %scan3A_32 = arith.constant 63 : i32
    %dma_start3A_33 = arith.constant 127 : i32
    %dma_start3A_34 = arith.constant 0 : i32
    %dma_start3A_35 = arith.constant 0 : i32
    %dma_start3A_36 = tpu.memref_slice %arg8[%dma_start3A_34, %dma_start3A_35] : memref<200x32xf32, #tpu.memory_space<vmem>> -> memref<128x32xf32, #tpu.memory_space<vmem>>
    %dma_start3A_37 = arith.constant 0 : i32
    %dma_start3A_38 = tpu.memref_slice %arg6[%dma_start3A_33, %dma_start3A_37] : memref<128x200xi32, #tpu.memory_space<vmem>> -> memref<1x128xi32, #tpu.memory_space<vmem>>
    %dma_start3A_39 = tpu.memref_squeeze %dma_start3A_38 : memref<1x128xi32, #tpu.memory_space<vmem>> -> memref<128xi32, #tpu.memory_space<vmem>>
    %dma_start3A_40 = arith.constant 0 : i32
    %dma_start3A_41 = arith.constant 0 : i32
    %dma_start3A_42 = tpu.memref_slice %arg2[%dma_start3A_40, %dma_start3A_41] : memref<1015808x32xf32, #tpu.memory_space<hbm>> -> memref<1015808x32xf32, #tpu.memory_space<hbm>>
    tpu.enqueue_indirect_dma source(%dma_start3A_42 : memref<1015808x32xf32, #tpu.memory_space<hbm>>) target(%dma_start3A_36 : memref<128x32xf32, #tpu.memory_space<vmem>>) offsets(%dma_start3A_39 : memref<128xi32, #tpu.memory_space<vmem>>) semaphore(%arg11 : memref<!tpu.dma_semaphore, #tpu.memory_space<semaphore_mem>>)
    %dma_start3A_43 = arith.constant 127 : i32
    %dma_start3A_44 = arith.constant 128 : i32
    %dma_start3A_45 = arith.constant 0 : i32
    %dma_start3A_46 = tpu.memref_slice %arg8[%dma_start3A_44, %dma_start3A_45] : memref<200x32xf32, #tpu.memory_space<vmem>> -> memref<72x32xf32, #tpu.memory_space<vmem>>
    %dma_start3A_47 = arith.constant 128 : i32
    %dma_start3A_48 = tpu.memref_slice %arg6[%dma_start3A_43, %dma_start3A_47] : memref<128x200xi32, #tpu.memory_space<vmem>> -> memref<1x72xi32, #tpu.memory_space<vmem>>
    %dma_start3A_49 = tpu.memref_squeeze %dma_start3A_48 : memref<1x72xi32, #tpu.memory_space<vmem>> -> memref<72xi32, #tpu.memory_space<vmem>>
    %dma_start3A_50 = arith.constant 0 : i32
    %dma_start3A_51 = arith.constant 0 : i32
    %dma_start3A_52 = tpu.memref_slice %arg2[%dma_start3A_50, %dma_start3A_51] : memref<1015808x32xf32, #tpu.memory_space<hbm>> -> memref<1015808x32xf32, #tpu.memory_space<hbm>>
    tpu.enqueue_indirect_dma source(%dma_start3A_52 : memref<1015808x32xf32, #tpu.memory_space<hbm>>) target(%dma_start3A_46 : memref<72x32xf32, #tpu.memory_space<vmem>>) offsets(%dma_start3A_49 : memref<72xi32, #tpu.memory_space<vmem>>) semaphore(%arg11 : memref<!tpu.dma_semaphore, #tpu.memory_space<semaphore_mem>>)
    %dma_wait3A = arith.constant 126 : i32
    %dma_wait3A_53 = arith.constant 0 : i32
    %dma_wait3A_54 = arith.constant 0 : i32
    %dma_wait3A_55 = tpu.memref_slice %arg7[%dma_wait3A_53, %dma_wait3A_54] : memref<200x32xf32, #tpu.memory_space<vmem>> -> memref<128x32xf32, #tpu.memory_space<vmem>>
    %dma_wait3A_56 = arith.constant 0 : i32
    %dma_wait3A_57 = tpu.memref_slice %arg6[%dma_wait3A, %dma_wait3A_56] : memref<128x200xi32, #tpu.memory_space<vmem>> -> memref<1x128xi32, #tpu.memory_space<vmem>>
    %dma_wait3A_58 = tpu.memref_squeeze %dma_wait3A_57 : memref<1x128xi32, #tpu.memory_space<vmem>> -> memref<128xi32, #tpu.memory_space<vmem>>
    %dma_wait3A_59 = arith.constant 0 : i32
    %dma_wait3A_60 = arith.constant 0 : i32
    %dma_wait3A_61 = tpu.memref_slice %arg2[%dma_wait3A_59, %dma_wait3A_60] : memref<1015808x32xf32, #tpu.memory_space<hbm>> -> memref<1015808x32xf32, #tpu.memory_space<hbm>>
    tpu.wait_indirect_dma semaphore(%arg10 : memref<!tpu.dma_semaphore, #tpu.memory_space<semaphore_mem>>) src(%dma_wait3A_61 : memref<1015808x32xf32, #tpu.memory_space<hbm>>) dst(%dma_wait3A_55 : memref<128x32xf32, #tpu.memory_space<vmem>>)
    %dma_wait3A_62 = arith.constant 126 : i32
    %dma_wait3A_63 = arith.constant 128 : i32
    %dma_wait3A_64 = arith.constant 0 : i32
    %dma_wait3A_65 = tpu.memref_slice %arg7[%dma_wait3A_63, %dma_wait3A_64] : memref<200x32xf32, #tpu.memory_space<vmem>> -> memref<72x32xf32, #tpu.memory_space<vmem>>
    %dma_wait3A_66 = arith.constant 128 : i32
    %dma_wait3A_67 = tpu.memref_slice %arg6[%dma_wait3A_62, %dma_wait3A_66] : memref<128x200xi32, #tpu.memory_space<vmem>> -> memref<1x72xi32, #tpu.memory_space<vmem>>
    %dma_wait3A_68 = tpu.memref_squeeze %dma_wait3A_67 : memref<1x72xi32, #tpu.memory_space<vmem>> -> memref<72xi32, #tpu.memory_space<vmem>>
    %dma_wait3A_69 = arith.constant 0 : i32
    %dma_wait3A_70 = arith.constant 0 : i32
    %dma_wait3A_71 = tpu.memref_slice %arg2[%dma_wait3A_69, %dma_wait3A_70] : memref<1015808x32xf32, #tpu.memory_space<hbm>> -> memref<1015808x32xf32, #tpu.memory_space<hbm>>
    tpu.wait_indirect_dma semaphore(%arg10 : memref<!tpu.dma_semaphore, #tpu.memory_space<semaphore_mem>>) src(%dma_wait3A_71 : memref<1015808x32xf32, #tpu.memory_space<hbm>>) dst(%dma_wait3A_65 : memref<72x32xf32, #tpu.memory_space<vmem>>)
    %broadcast_in_dim3A = arith.constant 0.000000e+00 : f32
    %broadcast_in_dim3A_72 = vector.broadcast %broadcast_in_dim3A : f32 to vector<16xf32>
    %broadcast_in_dim3A_73 = arith.constant 0.000000e+00 : f32
    %broadcast_in_dim3A_74 = vector.broadcast %broadcast_in_dim3A_73 : f32 to vector<16xf32>
    %broadcast_in_dim3A_75 = arith.constant 0.000000e+00 : f32
    %broadcast_in_dim3A_76 = vector.broadcast %broadcast_in_dim3A_75 : f32 to vector<16xf32>
    %broadcast_in_dim3A_77 = arith.constant 0.000000e+00 : f32
    %broadcast_in_dim3A_78 = vector.broadcast %broadcast_in_dim3A_77 : f32 to vector<16xf32>
    %broadcast_in_dim3A_79 = arith.constant 0.000000e+00 : f32
    %broadcast_in_dim3A_80 = vector.broadcast %broadcast_in_dim3A_79 : f32 to vector<16xf32>
    %broadcast_in_dim3A_81 = arith.constant 0.000000e+00 : f32
    %broadcast_in_dim3A_82 = vector.broadcast %broadcast_in_dim3A_81 : f32 to vector<16xf32>
    %broadcast_in_dim3A_83 = arith.constant 0.000000e+00 : f32
    %broadcast_in_dim3A_84 = vector.broadcast %broadcast_in_dim3A_83 : f32 to vector<16xf32>
    %broadcast_in_dim3A_85 = arith.constant 0.000000e+00 : f32
    %broadcast_in_dim3A_86 = vector.broadcast %broadcast_in_dim3A_85 : f32 to vector<16xf32>
    %broadcast_in_dim3A_87 = arith.constant 0.000000e+00 : f32
    %broadcast_in_dim3A_88 = vector.broadcast %broadcast_in_dim3A_87 : f32 to vector<16xf32>
    %broadcast_in_dim3A_89 = arith.constant 0.000000e+00 : f32
    %broadcast_in_dim3A_90 = vector.broadcast %broadcast_in_dim3A_89 : f32 to vector<16xf32>
    %broadcast_in_dim3A_91 = arith.constant 0.000000e+00 : f32
    %broadcast_in_dim3A_92 = vector.broadcast %broadcast_in_dim3A_91 : f32 to vector<16xf32>
    %broadcast_in_dim3A_93 = arith.constant 0.000000e+00 : f32
    %broadcast_in_dim3A_94 = vector.broadcast %broadcast_in_dim3A_93 : f32 to vector<16xf32>
    %broadcast_in_dim3A_95 = arith.constant 0.000000e+00 : f32
    %broadcast_in_dim3A_96 = vector.broadcast %broadcast_in_dim3A_95 : f32 to vector<16xf32>
    %broadcast_in_dim3A_97 = arith.constant 0.000000e+00 : f32
    %broadcast_in_dim3A_98 = vector.broadcast %broadcast_in_dim3A_97 : f32 to vector<16xf32>
    %broadcast_in_dim3A_99 = arith.constant 0.000000e+00 : f32
    %broadcast_in_dim3A_100 = vector.broadcast %broadcast_in_dim3A_99 : f32 to vector<16xf32>
    %broadcast_in_dim3A_101 = arith.constant 0.000000e+00 : f32
    %broadcast_in_dim3A_102 = vector.broadcast %broadcast_in_dim3A_101 : f32 to vector<16xf32>
    %scan3A_103 = arith.constant 0 : i32
    %scan3A_104 = arith.constant 25 : i32
    %scan3A_105 = arith.addi %scan3A_103, %scan3A_104 : i32
    %scan3A_106 = arith.constant 1 : i32
    %scan3A_107:16 = scf.for %scan3A_218 = %scan3A_103 to %scan3A_105 step %scan3A_106 iter_args(%scan3A_219 = %broadcast_in_dim3A_72, %scan3A_220 = %broadcast_in_dim3A_74, %scan3A_221 = %broadcast_in_dim3A_76, %scan3A_222 = %broadcast_in_dim3A_78, %scan3A_223 = %broadcast_in_dim3A_80, %scan3A_224 = %broadcast_in_dim3A_82, %scan3A_225 = %broadcast_in_dim3A_84, %scan3A_226 = %broadcast_in_dim3A_86, %scan3A_227 = %broadcast_in_dim3A_88, %scan3A_228 = %broadcast_in_dim3A_90, %scan3A_229 = %broadcast_in_dim3A_92, %scan3A_230 = %broadcast_in_dim3A_94, %scan3A_231 = %broadcast_in_dim3A_96, %scan3A_232 = %broadcast_in_dim3A_98, %scan3A_233 = %broadcast_in_dim3A_100, %scan3A_234 = %broadcast_in_dim3A_102) -> (vector<16xf32>, vector<16xf32>, vector<16xf32>, vector<16xf32>, vector<16xf32>, vector<16xf32>, vector<16xf32>, vector<16xf32>, vector<16xf32>, vector<16xf32>, vector<16xf32>, vector<16xf32>, vector<16xf32>, vector<16xf32>, vector<16xf32>, vector<16xf32>)  : i32 {
      %mul3A_235 = arith.constant 8 : i32
      %mul3A_236 = arith.muli %scan3A_218, %mul3A_235 : i32
      %add3A_237 = arith.constant 0 : i32
      %add3A_238 = arith.addi %mul3A_236, %add3A_237 : i32
      %get3A = arith.index_cast %add3A_238 : i32 to index
      %get3A_239 = arith.constant 0 : index
      %get3A_240 = tpu.vector_load %arg7[%get3A, %get3A_239] {strides = array<i32>} : memref<200x32xf32, #tpu.memory_space<vmem>>, vector<1x16xf32>,
      %get3A_241 = vector.shape_cast %get3A_240 : vector<1x16xf32> to vector<16xf32>
      %add3A_242 = arith.addf %scan3A_219, %get3A_241 : vector<16xf32>
      %get3A_243 = arith.index_cast %add3A_238 : i32 to index
      %get3A_244 = arith.constant 16 : index
      %get3A_245 = tpu.vector_load %arg7[%get3A_243, %get3A_244] {strides = array<i32>} : memref<200x32xf32, #tpu.memory_space<vmem>>, vector<1x16xf32>,
      %get3A_246 = vector.shape_cast %get3A_245 : vector<1x16xf32> to vector<16xf32>
      %add3A_247 = arith.addf %scan3A_220, %get3A_246 : vector<16xf32>
      %mul3A_248 = arith.constant 8 : i32
      %mul3A_249 = arith.muli %scan3A_218, %mul3A_248 : i32
      %add3A_250 = arith.constant 1 : i32
      %add3A_251 = arith.addi %mul3A_249, %add3A_250 : i32
      %get3A_252 = arith.index_cast %add3A_251 : i32 to index
      %get3A_253 = arith.constant 0 : index
      %get3A_254 = tpu.vector_load %arg7[%get3A_252, %get3A_253] {strides = array<i32>} : memref<200x32xf32, #tpu.memory_space<vmem>>, vector<1x16xf32>,
      %get3A_255 = vector.shape_cast %get3A_254 : vector<1x16xf32> to vector<16xf32>
      %add3A_256 = arith.addf %scan3A_221, %get3A_255 : vector<16xf32>
      %get3A_257 = arith.index_cast %add3A_251 : i32 to index
      %get3A_258 = arith.constant 16 : index
      %get3A_259 = tpu.vector_load %arg7[%get3A_257, %get3A_258] {strides = array<i32>} : memref<200x32xf32, #tpu.memory_space<vmem>>, vector<1x16xf32>,
      %get3A_260 = vector.shape_cast %get3A_259 : vector<1x16xf32> to vector<16xf32>
      %add3A_261 = arith.addf %scan3A_222, %get3A_260 : vector<16xf32>
      %mul3A_262 = arith.constant 8 : i32
      %mul3A_263 = arith.muli %scan3A_218, %mul3A_262 : i32
      %add3A_264 = arith.constant 2 : i32
      %add3A_265 = arith.addi %mul3A_263, %add3A_264 : i32
      %get3A_266 = arith.index_cast %add3A_265 : i32 to index
      %get3A_267 = arith.constant 0 : index
      %get3A_268 = tpu.vector_load %arg7[%get3A_266, %get3A_267] {strides = array<i32>} : memref<200x32xf32, #tpu.memory_space<vmem>>, vector<1x16xf32>,
      %get3A_269 = vector.shape_cast %get3A_268 : vector<1x16xf32> to vector<16xf32>
      %add3A_270 = arith.addf %scan3A_223, %get3A_269 : vector<16xf32>
      %get3A_271 = arith.index_cast %add3A_265 : i32 to index
      %get3A_272 = arith.constant 16 : index
      %get3A_273 = tpu.vector_load %arg7[%get3A_271, %get3A_272] {strides = array<i32>} : memref<200x32xf32, #tpu.memory_space<vmem>>, vector<1x16xf32>,
      %get3A_274 = vector.shape_cast %get3A_273 : vector<1x16xf32> to vector<16xf32>
      %add3A_275 = arith.addf %scan3A_224, %get3A_274 : vector<16xf32>
      %mul3A_276 = arith.constant 8 : i32
      %mul3A_277 = arith.muli %scan3A_218, %mul3A_276 : i32
      %add3A_278 = arith.constant 3 : i32
      %add3A_279 = arith.addi %mul3A_277, %add3A_278 : i32
      %get3A_280 = arith.index_cast %add3A_279 : i32 to index
      %get3A_281 = arith.constant 0 : index
      %get3A_282 = tpu.vector_load %arg7[%get3A_280, %get3A_281] {strides = array<i32>} : memref<200x32xf32, #tpu.memory_space<vmem>>, vector<1x16xf32>,
      %get3A_283 = vector.shape_cast %get3A_282 : vector<1x16xf32> to vector<16xf32>
      %add3A_284 = arith.addf %scan3A_225, %get3A_283 : vector<16xf32>
      %get3A_285 = arith.index_cast %add3A_279 : i32 to index
      %get3A_286 = arith.constant 16 : index
      %get3A_287 = tpu.vector_load %arg7[%get3A_285, %get3A_286] {strides = array<i32>} : memref<200x32xf32, #tpu.memory_space<vmem>>, vector<1x16xf32>,
      %get3A_288 = vector.shape_cast %get3A_287 : vector<1x16xf32> to vector<16xf32>
      %add3A_289 = arith.addf %scan3A_226, %get3A_288 : vector<16xf32>
      %mul3A_290 = arith.constant 8 : i32
      %mul3A_291 = arith.muli %scan3A_218, %mul3A_290 : i32
      %add3A_292 = arith.constant 4 : i32
      %add3A_293 = arith.addi %mul3A_291, %add3A_292 : i32
      %get3A_294 = arith.index_cast %add3A_293 : i32 to index
      %get3A_295 = arith.constant 0 : index
      %get3A_296 = tpu.vector_load %arg7[%get3A_294, %get3A_295] {strides = array<i32>} : memref<200x32xf32, #tpu.memory_space<vmem>>, vector<1x16xf32>,
      %get3A_297 = vector.shape_cast %get3A_296 : vector<1x16xf32> to vector<16xf32>
      %add3A_298 = arith.addf %scan3A_227, %get3A_297 : vector<16xf32>
      %get3A_299 = arith.index_cast %add3A_293 : i32 to index
      %get3A_300 = arith.constant 16 : index
      %get3A_301 = tpu.vector_load %arg7[%get3A_299, %get3A_300] {strides = array<i32>} : memref<200x32xf32, #tpu.memory_space<vmem>>, vector<1x16xf32>,
      %get3A_302 = vector.shape_cast %get3A_301 : vector<1x16xf32> to vector<16xf32>
      %add3A_303 = arith.addf %scan3A_228, %get3A_302 : vector<16xf32>
      %mul3A_304 = arith.constant 8 : i32
      %mul3A_305 = arith.muli %scan3A_218, %mul3A_304 : i32
      %add3A_306 = arith.constant 5 : i32
      %add3A_307 = arith.addi %mul3A_305, %add3A_306 : i32
      %get3A_308 = arith.index_cast %add3A_307 : i32 to index
      %get3A_309 = arith.constant 0 : index
      %get3A_310 = tpu.vector_load %arg7[%get3A_308, %get3A_309] {strides = array<i32>} : memref<200x32xf32, #tpu.memory_space<vmem>>, vector<1x16xf32>,
      %get3A_311 = vector.shape_cast %get3A_310 : vector<1x16xf32> to vector<16xf32>
      %add3A_312 = arith.addf %scan3A_229, %get3A_311 : vector<16xf32>
      %get3A_313 = arith.index_cast %add3A_307 : i32 to index
      %get3A_314 = arith.constant 16 : index
      %get3A_315 = tpu.vector_load %arg7[%get3A_313, %get3A_314] {strides = array<i32>} : memref<200x32xf32, #tpu.memory_space<vmem>>, vector<1x16xf32>,
      %get3A_316 = vector.shape_cast %get3A_315 : vector<1x16xf32> to vector<16xf32>
      %add3A_317 = arith.addf %scan3A_230, %get3A_316 : vector<16xf32>
      %mul3A_318 = arith.constant 8 : i32
      %mul3A_319 = arith.muli %scan3A_218, %mul3A_318 : i32
      %add3A_320 = arith.constant 6 : i32
      %add3A_321 = arith.addi %mul3A_319, %add3A_320 : i32
      %get3A_322 = arith.index_cast %add3A_321 : i32 to index
      %get3A_323 = arith.constant 0 : index
      %get3A_324 = tpu.vector_load %arg7[%get3A_322, %get3A_323] {strides = array<i32>} : memref<200x32xf32, #tpu.memory_space<vmem>>, vector<1x16xf32>,
      %get3A_325 = vector.shape_cast %get3A_324 : vector<1x16xf32> to vector<16xf32>
      %add3A_326 = arith.addf %scan3A_231, %get3A_325 : vector<16xf32>
      %get3A_327 = arith.index_cast %add3A_321 : i32 to index
      %get3A_328 = arith.constant 16 : index
      %get3A_329 = tpu.vector_load %arg7[%get3A_327, %get3A_328] {strides = array<i32>} : memref<200x32xf32, #tpu.memory_space<vmem>>, vector<1x16xf32>,
      %get3A_330 = vector.shape_cast %get3A_329 : vector<1x16xf32> to vector<16xf32>
      %add3A_331 = arith.addf %scan3A_232, %get3A_330 : vector<16xf32>
      %mul3A_332 = arith.constant 8 : i32
      %mul3A_333 = arith.muli %scan3A_218, %mul3A_332 : i32
      %add3A_334 = arith.constant 7 : i32
      %add3A_335 = arith.addi %mul3A_333, %add3A_334 : i32
      %get3A_336 = arith.index_cast %add3A_335 : i32 to index
      %get3A_337 = arith.constant 0 : index
      %get3A_338 = tpu.vector_load %arg7[%get3A_336, %get3A_337] {strides = array<i32>} : memref<200x32xf32, #tpu.memory_space<vmem>>, vector<1x16xf32>,
      %get3A_339 = vector.shape_cast %get3A_338 : vector<1x16xf32> to vector<16xf32>
      %add3A_340 = arith.addf %scan3A_233, %get3A_339 : vector<16xf32>
      %get3A_341 = arith.index_cast %add3A_335 : i32 to index
      %get3A_342 = arith.constant 16 : index
      %get3A_343 = tpu.vector_load %arg7[%get3A_341, %get3A_342] {strides = array<i32>} : memref<200x32xf32, #tpu.memory_space<vmem>>, vector<1x16xf32>,
      %get3A_344 = vector.shape_cast %get3A_343 : vector<1x16xf32> to vector<16xf32>
      %add3A_345 = arith.addf %scan3A_234, %get3A_344 : vector<16xf32>
      scf.yield %add3A_242, %add3A_247, %add3A_256, %add3A_261, %add3A_270, %add3A_275, %add3A_284, %add3A_289, %add3A_298, %add3A_303, %add3A_312, %add3A_317, %add3A_326, %add3A_331, %add3A_340, %add3A_345 : vector<16xf32>, vector<16xf32>, vector<16xf32>, vector<16xf32>, vector<16xf32>, vector<16xf32>, vector<16xf32>, vector<16xf32>, vector<16xf32>, vector<16xf32>, vector<16xf32>, vector<16xf32>, vector<16xf32>, vector<16xf32>, vector<16xf32>, vector<16xf32>
    }
    %scan3A_108 = arith.constant 25 : i32
    %add3A_109 = arith.addf %scan3A_107#0, %scan3A_107#2 : vector<16xf32>
    %add3A_110 = arith.addf %scan3A_107#1, %scan3A_107#3 : vector<16xf32>
    %add3A_111 = arith.addf %add3A_109, %scan3A_107#4 : vector<16xf32>
    %add3A_112 = arith.addf %add3A_110, %scan3A_107#5 : vector<16xf32>
    %add3A_113 = arith.addf %add3A_111, %scan3A_107#6 : vector<16xf32>
    %add3A_114 = arith.addf %add3A_112, %scan3A_107#7 : vector<16xf32>
    %add3A_115 = arith.addf %add3A_113, %scan3A_107#8 : vector<16xf32>
    %add3A_116 = arith.addf %add3A_114, %scan3A_107#9 : vector<16xf32>
    %add3A_117 = arith.addf %add3A_115, %scan3A_107#10 : vector<16xf32>
    %add3A_118 = arith.addf %add3A_116, %scan3A_107#11 : vector<16xf32>
    %add3A_119 = arith.addf %add3A_117, %scan3A_107#12 : vector<16xf32>
    %add3A_120 = arith.addf %add3A_118, %scan3A_107#13 : vector<16xf32>
    %add3A_121 = arith.addf %add3A_119, %scan3A_107#14 : vector<16xf32>
    %add3A_122 = arith.addf %add3A_120, %scan3A_107#15 : vector<16xf32>
    %swap3A = arith.constant 126 : i32
    %swap3A_123 = arith.index_cast %swap3A : i32 to index
    %swap3A_124 = arith.constant 0 : index
    %swap3A_125 = tpu.vector_load %arg9[%swap3A_123, %swap3A_124] {strides = array<i32>} : memref<128x32xf32, #tpu.memory_space<vmem>>, vector<1x16xf32>,
    %swap3A_126 = vector.shape_cast %swap3A_125 : vector<1x16xf32> to vector<16xf32>
    %swap3A_127 = vector.shape_cast %add3A_121 : vector<16xf32> to vector<1x16xf32>
    tpu.vector_store %arg9[%swap3A_123, %swap3A_124], %swap3A_127 {strides = array<i32>} : memref<128x32xf32, #tpu.memory_space<vmem>>, vector<1x16xf32>,
    %swap3A_128 = arith.constant 126 : i32
    %swap3A_129 = arith.index_cast %swap3A_128 : i32 to index
    %swap3A_130 = arith.constant 16 : index
    %swap3A_131 = tpu.vector_load %arg9[%swap3A_129, %swap3A_130] {strides = array<i32>} : memref<128x32xf32, #tpu.memory_space<vmem>>, vector<1x16xf32>,
    %swap3A_132 = vector.shape_cast %swap3A_131 : vector<1x16xf32> to vector<16xf32>
    %swap3A_133 = vector.shape_cast %add3A_122 : vector<16xf32> to vector<1x16xf32>
    tpu.vector_store %arg9[%swap3A_129, %swap3A_130], %swap3A_133 {strides = array<i32>} : memref<128x32xf32, #tpu.memory_space<vmem>>, vector<1x16xf32>,
    %dma_wait3A_134 = arith.constant 127 : i32
    %dma_wait3A_135 = arith.constant 0 : i32
    %dma_wait3A_136 = arith.constant 0 : i32
    %dma_wait3A_137 = tpu.memref_slice %arg8[%dma_wait3A_135, %dma_wait3A_136] : memref<200x32xf32, #tpu.memory_space<vmem>> -> memref<128x32xf32, #tpu.memory_space<vmem>>
    %dma_wait3A_138 = arith.constant 0 : i32
    %dma_wait3A_139 = tpu.memref_slice %arg6[%dma_wait3A_134, %dma_wait3A_138] : memref<128x200xi32, #tpu.memory_space<vmem>> -> memref<1x128xi32, #tpu.memory_space<vmem>>
    %dma_wait3A_140 = tpu.memref_squeeze %dma_wait3A_139 : memref<1x128xi32, #tpu.memory_space<vmem>> -> memref<128xi32, #tpu.memory_space<vmem>>
    %dma_wait3A_141 = arith.constant 0 : i32
    %dma_wait3A_142 = arith.constant 0 : i32
    %dma_wait3A_143 = tpu.memref_slice %arg2[%dma_wait3A_141, %dma_wait3A_142] : memref<1015808x32xf32, #tpu.memory_space<hbm>> -> memref<1015808x32xf32, #tpu.memory_space<hbm>>
    tpu.wait_indirect_dma semaphore(%arg11 : memref<!tpu.dma_semaphore, #tpu.memory_space<semaphore_mem>>) src(%dma_wait3A_143 : memref<1015808x32xf32, #tpu.memory_space<hbm>>) dst(%dma_wait3A_137 : memref<128x32xf32, #tpu.memory_space<vmem>>)
    %dma_wait3A_144 = arith.constant 127 : i32
    %dma_wait3A_145 = arith.constant 128 : i32
    %dma_wait3A_146 = arith.constant 0 : i32
    %dma_wait3A_147 = tpu.memref_slice %arg8[%dma_wait3A_145, %dma_wait3A_146] : memref<200x32xf32, #tpu.memory_space<vmem>> -> memref<72x32xf32, #tpu.memory_space<vmem>>
    %dma_wait3A_148 = arith.constant 128 : i32
    %dma_wait3A_149 = tpu.memref_slice %arg6[%dma_wait3A_144, %dma_wait3A_148] : memref<128x200xi32, #tpu.memory_space<vmem>> -> memref<1x72xi32, #tpu.memory_space<vmem>>
    %dma_wait3A_150 = tpu.memref_squeeze %dma_wait3A_149 : memref<1x72xi32, #tpu.memory_space<vmem>> -> memref<72xi32, #tpu.memory_space<vmem>>
    %dma_wait3A_151 = arith.constant 0 : i32
    %dma_wait3A_152 = arith.constant 0 : i32
    %dma_wait3A_153 = tpu.memref_slice %arg2[%dma_wait3A_151, %dma_wait3A_152] : memref<1015808x32xf32, #tpu.memory_space<hbm>> -> memref<1015808x32xf32, #tpu.memory_space<hbm>>
    tpu.wait_indirect_dma semaphore(%arg11 : memref<!tpu.dma_semaphore, #tpu.memory_space<semaphore_mem>>) src(%dma_wait3A_153 : memref<1015808x32xf32, #tpu.memory_space<hbm>>) dst(%dma_wait3A_147 : memref<72x32xf32, #tpu.memory_space<vmem>>)
    %broadcast_in_dim3A_154 = arith.constant 0.000000e+00 : f32
    %broadcast_in_dim3A_155 = vector.broadcast %broadcast_in_dim3A_154 : f32 to vector<16xf32>
    %broadcast_in_dim3A_156 = arith.constant 0.000000e+00 : f32
    %broadcast_in_dim3A_157 = vector.broadcast %broadcast_in_dim3A_156 : f32 to vector<16xf32>
    %broadcast_in_dim3A_158 = arith.constant 0.000000e+00 : f32
    %broadcast_in_dim3A_159 = vector.broadcast %broadcast_in_dim3A_158 : f32 to vector<16xf32>
    %broadcast_in_dim3A_160 = arith.constant 0.000000e+00 : f32
    %broadcast_in_dim3A_161 = vector.broadcast %broadcast_in_dim3A_160 : f32 to vector<16xf32>
    %broadcast_in_dim3A_162 = arith.constant 0.000000e+00 : f32
    %broadcast_in_dim3A_163 = vector.broadcast %broadcast_in_dim3A_162 : f32 to vector<16xf32>
    %broadcast_in_dim3A_164 = arith.constant 0.000000e+00 : f32
    %broadcast_in_dim3A_165 = vector.broadcast %broadcast_in_dim3A_164 : f32 to vector<16xf32>
    %broadcast_in_dim3A_166 = arith.constant 0.000000e+00 : f32
    %broadcast_in_dim3A_167 = vector.broadcast %broadcast_in_dim3A_166 : f32 to vector<16xf32>
    %broadcast_in_dim3A_168 = arith.constant 0.000000e+00 : f32
    %broadcast_in_dim3A_169 = vector.broadcast %broadcast_in_dim3A_168 : f32 to vector<16xf32>
    %broadcast_in_dim3A_170 = arith.constant 0.000000e+00 : f32
    %broadcast_in_dim3A_171 = vector.broadcast %broadcast_in_dim3A_170 : f32 to vector<16xf32>
    %broadcast_in_dim3A_172 = arith.constant 0.000000e+00 : f32
    %broadcast_in_dim3A_173 = vector.broadcast %broadcast_in_dim3A_172 : f32 to vector<16xf32>
    %broadcast_in_dim3A_174 = arith.constant 0.000000e+00 : f32
    %broadcast_in_dim3A_175 = vector.broadcast %broadcast_in_dim3A_174 : f32 to vector<16xf32>
    %broadcast_in_dim3A_176 = arith.constant 0.000000e+00 : f32
    %broadcast_in_dim3A_177 = vector.broadcast %broadcast_in_dim3A_176 : f32 to vector<16xf32>
    %broadcast_in_dim3A_178 = arith.constant 0.000000e+00 : f32
    %broadcast_in_dim3A_179 = vector.broadcast %broadcast_in_dim3A_178 : f32 to vector<16xf32>
    %broadcast_in_dim3A_180 = arith.constant 0.000000e+00 : f32
    %broadcast_in_dim3A_181 = vector.broadcast %broadcast_in_dim3A_180 : f32 to vector<16xf32>
    %broadcast_in_dim3A_182 = arith.constant 0.000000e+00 : f32
    %broadcast_in_dim3A_183 = vector.broadcast %broadcast_in_dim3A_182 : f32 to vector<16xf32>
    %broadcast_in_dim3A_184 = arith.constant 0.000000e+00 : f32
    %broadcast_in_dim3A_185 = vector.broadcast %broadcast_in_dim3A_184 : f32 to vector<16xf32>
    %scan3A_186 = arith.constant 0 : i32
    %scan3A_187 = arith.constant 25 : i32
    %scan3A_188 = arith.addi %scan3A_186, %scan3A_187 : i32
    %scan3A_189 = arith.constant 1 : i32
    %scan3A_190:16 = scf.for %scan3A_218 = %scan3A_186 to %scan3A_188 step %scan3A_189 iter_args(%scan3A_219 = %broadcast_in_dim3A_155, %scan3A_220 = %broadcast_in_dim3A_157, %scan3A_221 = %broadcast_in_dim3A_159, %scan3A_222 = %broadcast_in_dim3A_161, %scan3A_223 = %broadcast_in_dim3A_163, %scan3A_224 = %broadcast_in_dim3A_165, %scan3A_225 = %broadcast_in_dim3A_167, %scan3A_226 = %broadcast_in_dim3A_169, %scan3A_227 = %broadcast_in_dim3A_171, %scan3A_228 = %broadcast_in_dim3A_173, %scan3A_229 = %broadcast_in_dim3A_175, %scan3A_230 = %broadcast_in_dim3A_177, %scan3A_231 = %broadcast_in_dim3A_179, %scan3A_232 = %broadcast_in_dim3A_181, %scan3A_233 = %broadcast_in_dim3A_183, %scan3A_234 = %broadcast_in_dim3A_185) -> (vector<16xf32>, vector<16xf32>, vector<16xf32>, vector<16xf32>, vector<16xf32>, vector<16xf32>, vector<16xf32>, vector<16xf32>, vector<16xf32>, vector<16xf32>, vector<16xf32>, vector<16xf32>, vector<16xf32>, vector<16xf32>, vector<16xf32>, vector<16xf32>)  : i32 {
      %mul3A_235 = arith.constant 8 : i32
      %mul3A_236 = arith.muli %scan3A_218, %mul3A_235 : i32
      %add3A_237 = arith.constant 0 : i32
      %add3A_238 = arith.addi %mul3A_236, %add3A_237 : i32
      %get3A = arith.index_cast %add3A_238 : i32 to index
      %get3A_239 = arith.constant 0 : index
      %get3A_240 = tpu.vector_load %arg8[%get3A, %get3A_239] {strides = array<i32>} : memref<200x32xf32, #tpu.memory_space<vmem>>, vector<1x16xf32>,
      %get3A_241 = vector.shape_cast %get3A_240 : vector<1x16xf32> to vector<16xf32>
      %add3A_242 = arith.addf %scan3A_219, %get3A_241 : vector<16xf32>
      %get3A_243 = arith.index_cast %add3A_238 : i32 to index
      %get3A_244 = arith.constant 16 : index
      %get3A_245 = tpu.vector_load %arg8[%get3A_243, %get3A_244] {strides = array<i32>} : memref<200x32xf32, #tpu.memory_space<vmem>>, vector<1x16xf32>,
      %get3A_246 = vector.shape_cast %get3A_245 : vector<1x16xf32> to vector<16xf32>
      %add3A_247 = arith.addf %scan3A_220, %get3A_246 : vector<16xf32>
      %mul3A_248 = arith.constant 8 : i32
      %mul3A_249 = arith.muli %scan3A_218, %mul3A_248 : i32
      %add3A_250 = arith.constant 1 : i32
      %add3A_251 = arith.addi %mul3A_249, %add3A_250 : i32
      %get3A_252 = arith.index_cast %add3A_251 : i32 to index
      %get3A_253 = arith.constant 0 : index
      %get3A_254 = tpu.vector_load %arg8[%get3A_252, %get3A_253] {strides = array<i32>} : memref<200x32xf32, #tpu.memory_space<vmem>>, vector<1x16xf32>,
      %get3A_255 = vector.shape_cast %get3A_254 : vector<1x16xf32> to vector<16xf32>
      %add3A_256 = arith.addf %scan3A_221, %get3A_255 : vector<16xf32>
      %get3A_257 = arith.index_cast %add3A_251 : i32 to index
      %get3A_258 = arith.constant 16 : index
      %get3A_259 = tpu.vector_load %arg8[%get3A_257, %get3A_258] {strides = array<i32>} : memref<200x32xf32, #tpu.memory_space<vmem>>, vector<1x16xf32>,
      %get3A_260 = vector.shape_cast %get3A_259 : vector<1x16xf32> to vector<16xf32>
      %add3A_261 = arith.addf %scan3A_222, %get3A_260 : vector<16xf32>
      %mul3A_262 = arith.constant 8 : i32
      %mul3A_263 = arith.muli %scan3A_218, %mul3A_262 : i32
      %add3A_264 = arith.constant 2 : i32
      %add3A_265 = arith.addi %mul3A_263, %add3A_264 : i32
      %get3A_266 = arith.index_cast %add3A_265 : i32 to index
      %get3A_267 = arith.constant 0 : index
      %get3A_268 = tpu.vector_load %arg8[%get3A_266, %get3A_267] {strides = array<i32>} : memref<200x32xf32, #tpu.memory_space<vmem>>, vector<1x16xf32>,
      %get3A_269 = vector.shape_cast %get3A_268 : vector<1x16xf32> to vector<16xf32>
      %add3A_270 = arith.addf %scan3A_223, %get3A_269 : vector<16xf32>
      %get3A_271 = arith.index_cast %add3A_265 : i32 to index
      %get3A_272 = arith.constant 16 : index
      %get3A_273 = tpu.vector_load %arg8[%get3A_271, %get3A_272] {strides = array<i32>} : memref<200x32xf32, #tpu.memory_space<vmem>>, vector<1x16xf32>,
      %get3A_274 = vector.shape_cast %get3A_273 : vector<1x16xf32> to vector<16xf32>
      %add3A_275 = arith.addf %scan3A_224, %get3A_274 : vector<16xf32>
      %mul3A_276 = arith.constant 8 : i32
      %mul3A_277 = arith.muli %scan3A_218, %mul3A_276 : i32
      %add3A_278 = arith.constant 3 : i32
      %add3A_279 = arith.addi %mul3A_277, %add3A_278 : i32
      %get3A_280 = arith.index_cast %add3A_279 : i32 to index
      %get3A_281 = arith.constant 0 : index
      %get3A_282 = tpu.vector_load %arg8[%get3A_280, %get3A_281] {strides = array<i32>} : memref<200x32xf32, #tpu.memory_space<vmem>>, vector<1x16xf32>,
      %get3A_283 = vector.shape_cast %get3A_282 : vector<1x16xf32> to vector<16xf32>
      %add3A_284 = arith.addf %scan3A_225, %get3A_283 : vector<16xf32>
      %get3A_285 = arith.index_cast %add3A_279 : i32 to index
      %get3A_286 = arith.constant 16 : index
      %get3A_287 = tpu.vector_load %arg8[%get3A_285, %get3A_286] {strides = array<i32>} : memref<200x32xf32, #tpu.memory_space<vmem>>, vector<1x16xf32>,
      %get3A_288 = vector.shape_cast %get3A_287 : vector<1x16xf32> to vector<16xf32>
      %add3A_289 = arith.addf %scan3A_226, %get3A_288 : vector<16xf32>
      %mul3A_290 = arith.constant 8 : i32
      %mul3A_291 = arith.muli %scan3A_218, %mul3A_290 : i32
      %add3A_292 = arith.constant 4 : i32
      %add3A_293 = arith.addi %mul3A_291, %add3A_292 : i32
      %get3A_294 = arith.index_cast %add3A_293 : i32 to index
      %get3A_295 = arith.constant 0 : index
      %get3A_296 = tpu.vector_load %arg8[%get3A_294, %get3A_295] {strides = array<i32>} : memref<200x32xf32, #tpu.memory_space<vmem>>, vector<1x16xf32>,
      %get3A_297 = vector.shape_cast %get3A_296 : vector<1x16xf32> to vector<16xf32>
      %add3A_298 = arith.addf %scan3A_227, %get3A_297 : vector<16xf32>
      %get3A_299 = arith.index_cast %add3A_293 : i32 to index
      %get3A_300 = arith.constant 16 : index
      %get3A_301 = tpu.vector_load %arg8[%get3A_299, %get3A_300] {strides = array<i32>} : memref<200x32xf32, #tpu.memory_space<vmem>>, vector<1x16xf32>,
      %get3A_302 = vector.shape_cast %get3A_301 : vector<1x16xf32> to vector<16xf32>
      %add3A_303 = arith.addf %scan3A_228, %get3A_302 : vector<16xf32>
      %mul3A_304 = arith.constant 8 : i32
      %mul3A_305 = arith.muli %scan3A_218, %mul3A_304 : i32
      %add3A_306 = arith.constant 5 : i32
      %add3A_307 = arith.addi %mul3A_305, %add3A_306 : i32
      %get3A_308 = arith.index_cast %add3A_307 : i32 to index
      %get3A_309 = arith.constant 0 : index
      %get3A_310 = tpu.vector_load %arg8[%get3A_308, %get3A_309] {strides = array<i32>} : memref<200x32xf32, #tpu.memory_space<vmem>>, vector<1x16xf32>,
      %get3A_311 = vector.shape_cast %get3A_310 : vector<1x16xf32> to vector<16xf32>
      %add3A_312 = arith.addf %scan3A_229, %get3A_311 : vector<16xf32>
      %get3A_313 = arith.index_cast %add3A_307 : i32 to index
      %get3A_314 = arith.constant 16 : index
      %get3A_315 = tpu.vector_load %arg8[%get3A_313, %get3A_314] {strides = array<i32>} : memref<200x32xf32, #tpu.memory_space<vmem>>, vector<1x16xf32>,
      %get3A_316 = vector.shape_cast %get3A_315 : vector<1x16xf32> to vector<16xf32>
      %add3A_317 = arith.addf %scan3A_230, %get3A_316 : vector<16xf32>
      %mul3A_318 = arith.constant 8 : i32
      %mul3A_319 = arith.muli %scan3A_218, %mul3A_318 : i32
      %add3A_320 = arith.constant 6 : i32
      %add3A_321 = arith.addi %mul3A_319, %add3A_320 : i32
      %get3A_322 = arith.index_cast %add3A_321 : i32 to index
      %get3A_323 = arith.constant 0 : index
      %get3A_324 = tpu.vector_load %arg8[%get3A_322, %get3A_323] {strides = array<i32>} : memref<200x32xf32, #tpu.memory_space<vmem>>, vector<1x16xf32>,
      %get3A_325 = vector.shape_cast %get3A_324 : vector<1x16xf32> to vector<16xf32>
      %add3A_326 = arith.addf %scan3A_231, %get3A_325 : vector<16xf32>
      %get3A_327 = arith.index_cast %add3A_321 : i32 to index
      %get3A_328 = arith.constant 16 : index
      %get3A_329 = tpu.vector_load %arg8[%get3A_327, %get3A_328] {strides = array<i32>} : memref<200x32xf32, #tpu.memory_space<vmem>>, vector<1x16xf32>,
      %get3A_330 = vector.shape_cast %get3A_329 : vector<1x16xf32> to vector<16xf32>
      %add3A_331 = arith.addf %scan3A_232, %get3A_330 : vector<16xf32>
      %mul3A_332 = arith.constant 8 : i32
      %mul3A_333 = arith.muli %scan3A_218, %mul3A_332 : i32
      %add3A_334 = arith.constant 7 : i32
      %add3A_335 = arith.addi %mul3A_333, %add3A_334 : i32
      %get3A_336 = arith.index_cast %add3A_335 : i32 to index
      %get3A_337 = arith.constant 0 : index
      %get3A_338 = tpu.vector_load %arg8[%get3A_336, %get3A_337] {strides = array<i32>} : memref<200x32xf32, #tpu.memory_space<vmem>>, vector<1x16xf32>,
      %get3A_339 = vector.shape_cast %get3A_338 : vector<1x16xf32> to vector<16xf32>
      %add3A_340 = arith.addf %scan3A_233, %get3A_339 : vector<16xf32>
      %get3A_341 = arith.index_cast %add3A_335 : i32 to index
      %get3A_342 = arith.constant 16 : index
      %get3A_343 = tpu.vector_load %arg8[%get3A_341, %get3A_342] {strides = array<i32>} : memref<200x32xf32, #tpu.memory_space<vmem>>, vector<1x16xf32>,
      %get3A_344 = vector.shape_cast %get3A_343 : vector<1x16xf32> to vector<16xf32>
      %add3A_345 = arith.addf %scan3A_234, %get3A_344 : vector<16xf32>
      scf.yield %add3A_242, %add3A_247, %add3A_256, %add3A_261, %add3A_270, %add3A_275, %add3A_284, %add3A_289, %add3A_298, %add3A_303, %add3A_312, %add3A_317, %add3A_326, %add3A_331, %add3A_340, %add3A_345 : vector<16xf32>, vector<16xf32>, vector<16xf32>, vector<16xf32>, vector<16xf32>, vector<16xf32>, vector<16xf32>, vector<16xf32>, vector<16xf32>, vector<16xf32>, vector<16xf32>, vector<16xf32>, vector<16xf32>, vector<16xf32>, vector<16xf32>, vector<16xf32>
    }
    %scan3A_191 = arith.constant 25 : i32
    %add3A_192 = arith.addf %scan3A_190#0, %scan3A_190#2 : vector<16xf32>
    %add3A_193 = arith.addf %scan3A_190#1, %scan3A_190#3 : vector<16xf32>
    %add3A_194 = arith.addf %add3A_192, %scan3A_190#4 : vector<16xf32>
    %add3A_195 = arith.addf %add3A_193, %scan3A_190#5 : vector<16xf32>
    %add3A_196 = arith.addf %add3A_194, %scan3A_190#6 : vector<16xf32>
    %add3A_197 = arith.addf %add3A_195, %scan3A_190#7 : vector<16xf32>
    %add3A_198 = arith.addf %add3A_196, %scan3A_190#8 : vector<16xf32>
    %add3A_199 = arith.addf %add3A_197, %scan3A_190#9 : vector<16xf32>
    %add3A_200 = arith.addf %add3A_198, %scan3A_190#10 : vector<16xf32>
    %add3A_201 = arith.addf %add3A_199, %scan3A_190#11 : vector<16xf32>
    %add3A_202 = arith.addf %add3A_200, %scan3A_190#12 : vector<16xf32>
    %add3A_203 = arith.addf %add3A_201, %scan3A_190#13 : vector<16xf32>
    %add3A_204 = arith.addf %add3A_202, %scan3A_190#14 : vector<16xf32>
    %add3A_205 = arith.addf %add3A_203, %scan3A_190#15 : vector<16xf32>
    %swap3A_206 = arith.constant 127 : i32
    %swap3A_207 = arith.index_cast %swap3A_206 : i32 to index
    %swap3A_208 = arith.constant 0 : index
    %swap3A_209 = tpu.vector_load %arg9[%swap3A_207, %swap3A_208] {strides = array<i32>} : memref<128x32xf32, #tpu.memory_space<vmem>>, vector<1x16xf32>,
    %swap3A_210 = vector.shape_cast %swap3A_209 : vector<1x16xf32> to vector<16xf32>
    %swap3A_211 = vector.shape_cast %add3A_204 : vector<16xf32> to vector<1x16xf32>
    tpu.vector_store %arg9[%swap3A_207, %swap3A_208], %swap3A_211 {strides = array<i32>} : memref<128x32xf32, #tpu.memory_space<vmem>>, vector<1x16xf32>,
    %swap3A_212 = arith.constant 127 : i32
    %swap3A_213 = arith.index_cast %swap3A_212 : i32 to index
    %swap3A_214 = arith.constant 16 : index
    %swap3A_215 = tpu.vector_load %arg9[%swap3A_213, %swap3A_214] {strides = array<i32>} : memref<128x32xf32, #tpu.memory_space<vmem>>, vector<1x16xf32>,
    %swap3A_216 = vector.shape_cast %swap3A_215 : vector<1x16xf32> to vector<16xf32>
    %swap3A_217 = vector.shape_cast %add3A_205 : vector<16xf32> to vector<1x16xf32>
    tpu.vector_store %arg9[%swap3A_213, %swap3A_214], %swap3A_217 {strides = array<i32>} : memref<128x32xf32, #tpu.memory_space<vmem>>, vector<1x16xf32>,
    "tpu.region"() ({
      %run_scoped3A = tpu.sem_alloc : memref<!tpu.dma_semaphore, #tpu.memory_space<semaphore_mem>>
      %dma_start3A_218 = arith.constant 0 : i32
      %dma_start3A_219 = tpu.memref_slice %arg4[%mul3A_2, %dma_start3A_218] : memref<4096x32xf32, #tpu.memory_space<hbm>> -> memref<128x32xf32, #tpu.memory_space<hbm>>
      %dma_start3A_220 = arith.constant 0 : i32
      %dma_start3A_221 = tpu.memref_slice %arg4[%mul3A_2, %dma_start3A_220] : memref<4096x32xf32, #tpu.memory_space<hbm>> -> memref<128x32xf32, #tpu.memory_space<hbm>>
      tpu.enqueue_dma source(%arg9 : memref<128x32xf32, #tpu.memory_space<vmem>>) target(%dma_start3A_221 : memref<128x32xf32, #tpu.memory_space<hbm>>) target_semaphore(%run_scoped3A : memref<!tpu.dma_semaphore, #tpu.memory_space<semaphore_mem>>)
      %dma_wait3A_222 = arith.constant 0 : i32
      %dma_wait3A_223 = tpu.memref_slice %arg4[%mul3A_2, %dma_wait3A_222] : memref<4096x32xf32, #tpu.memory_space<hbm>> -> memref<128x32xf32, #tpu.memory_space<hbm>>
      %dma_wait3A_224 = arith.constant 0 : i32
      %dma_wait3A_225 = tpu.memref_slice %arg4[%mul3A_2, %dma_wait3A_224] : memref<4096x32xf32, #tpu.memory_space<hbm>> -> memref<128x32xf32, #tpu.memory_space<hbm>>
      tpu.wait_dma2 semaphore(%run_scoped3A : memref<!tpu.dma_semaphore, #tpu.memory_space<semaphore_mem>>) src(%arg9 : memref<128x32xf32, #tpu.memory_space<vmem>>) dst(%dma_wait3A_225 : memref<128x32xf32, #tpu.memory_space<hbm>>)
      tpu.yield
    }) : () -> ()
    return
  }
}

module attributes {stable_mosaic.version = 14 : i64} {
  func.func @body(%arg0: i32, %arg1: memref<32x16384xf32, #tpu.memory_space<vmem>>, %arg2: memref<4096x128xf32, #tpu.memory_space<vmem>>) attributes {dimension_semantics = [#tpu.dimension_semantics<arbitrary>], iteration_bounds = array<i64: 62>, scalar_prefetch = 0 : i64, scratch_operands = 0 : i64, tpu.core_type = #tpu.core_type<tc>, window_params = [{transform_indices = @transform_0, window_bounds = array<i64: 32, 16384>}, {transform_indices = @transform_1, window_bounds = array<i64: 4096, 128>}]} {
    %get3A = arith.constant 0 : index
    %get3A_0 = arith.constant 0 : index
    %get3A_1 = vector.load %arg1[%get3A, %get3A_0] : memref<32x16384xf32, #tpu.memory_space<vmem>>, vector<32x16384xf32>
    %slice3A = vector.extract_strided_slice %get3A_1 {offsets = [0, 0], sizes = [32, 4096], strides = [1, 1]} : vector<32x16384xf32> to vector<32x4096xf32>
    %slice3A_2 = vector.extract_strided_slice %get3A_1 {offsets = [0, 4096], sizes = [32, 4096], strides = [1, 1]} : vector<32x16384xf32> to vector<32x4096xf32>
    %slice3A_3 = vector.extract_strided_slice %get3A_1 {offsets = [0, 8192], sizes = [32, 4096], strides = [1, 1]} : vector<32x16384xf32> to vector<32x4096xf32>
    %slice3A_4 = vector.extract_strided_slice %get3A_1 {offsets = [0, 12288], sizes = [32, 4096], strides = [1, 1]} : vector<32x16384xf32> to vector<32x4096xf32>
    %concatenate3A = tpu.concatenate %slice3A, %slice3A_2, %slice3A_3, %slice3A_4 in 0 : vector<32x4096xf32>, vector<32x4096xf32>, vector<32x4096xf32>, vector<32x4096xf32> -> vector<128x4096xf32>
    %transpose3A = tpu.transpose %concatenate3A, [1, 0] : vector<128x4096xf32> -> vector<4096x128xf32>
    %swap3A = arith.constant 0 : index
    %swap3A_5 = arith.constant 0 : index
    %swap3A_6 = vector.load %arg2[%swap3A, %swap3A_5] : memref<4096x128xf32, #tpu.memory_space<vmem>>, vector<4096x128xf32>
    tpu.vector_store %arg2[%swap3A, %swap3A_5], %transpose3A {strides = array<i32>} : memref<4096x128xf32, #tpu.memory_space<vmem>>, vector<4096x128xf32>,
    return
  }
  func.func @transform_0(%arg0: i32) -> (i32, i32) {
    %c0_i32 = arith.constant 0 : i32
    %c0_i32_0 = arith.constant 0 : i32
    return %c0_i32, %arg0 : i32, i32
  }
  func.func @transform_1(%arg0: i32) -> (i32, i32) {
    %c0_i32 = arith.constant 0 : i32
    %c0_i32_0 = arith.constant 0 : i32
    return %arg0, %c0_i32 : i32, i32
  }
}

module attributes {stable_mosaic.version = 14 : i64} {
  func.func @body(%arg0: i32, %arg1: memref<512x32xf32, #tpu.memory_space<vmem>>, %arg2: memref<512x128xf32, #tpu.memory_space<vmem>>, %arg3: memref<32x64xf32, #tpu.memory_space<vmem>>, %arg4: memref<128x64xf32, #tpu.memory_space<vmem>>, %arg5: memref<1x64xf32, #tpu.memory_space<vmem>>, %arg6: memref<512x64xf32, #tpu.memory_space<vmem>>) attributes {dimension_semantics = [#tpu.dimension_semantics<arbitrary>], iteration_bounds = array<i64: 8>, scalar_prefetch = 0 : i64, scratch_operands = 0 : i64, tpu.core_type = #tpu.core_type<tc>, window_params = [{transform_indices = @transform_0, window_bounds = array<i64: 512, 32>}, {transform_indices = @transform_1, window_bounds = array<i64: 512, 128>}, {pipeline_mode = #tpu.pipeline_mode<synchronous>, transform_indices = @transform_2, window_bounds = array<i64: 32, 64>}, {pipeline_mode = #tpu.pipeline_mode<synchronous>, transform_indices = @transform_3, window_bounds = array<i64: 128, 64>}, {pipeline_mode = #tpu.pipeline_mode<synchronous>, transform_indices = @transform_4, window_bounds = array<i64: 1, 64>}, {transform_indices = @transform_5, window_bounds = array<i64: 512, 64>}]} {
    %get3A = arith.constant 0 : index
    %get3A_0 = arith.constant 0 : index
    %get3A_1 = vector.load %arg1[%get3A, %get3A_0] : memref<512x32xf32, #tpu.memory_space<vmem>>, vector<512x32xf32>
    %mul3A = arith.constant 5.000000e-03 : f32
    %mul3A_2 = vector.broadcast %mul3A : f32 to vector<512x32xf32>
    %mul3A_3 = arith.mulf %get3A_1, %mul3A_2 : vector<512x32xf32>
    %get3A_4 = arith.constant 0 : index
    %get3A_5 = arith.constant 0 : index
    %get3A_6 = vector.load %arg2[%get3A_4, %get3A_5] : memref<512x128xf32, #tpu.memory_space<vmem>>, vector<512x128xf32>
    %reduce_max3A = arith.constant dense<0xFF800000> : vector<512xf32>
    %reduce_max3A_7 = vector.multi_reduction <maximumf>, %mul3A_3, %reduce_max3A [1] : vector<512x32xf32> to vector<512xf32>
    %broadcast_in_dim3A = vector.shape_cast %reduce_max3A_7 : vector<512xf32> to vector<512x1xf32>
    %reduce_max3A_8 = arith.constant dense<0xFF800000> : vector<512xf32>
    %reduce_max3A_9 = vector.multi_reduction <maximumf>, %get3A_6, %reduce_max3A_8 [1] : vector<512x128xf32> to vector<512xf32>
    %broadcast_in_dim3A_10 = vector.shape_cast %reduce_max3A_9 : vector<512xf32> to vector<512x1xf32>
    %max3A = arith.maximumf %broadcast_in_dim3A, %broadcast_in_dim3A_10 : vector<512x1xf32>
    %sub3A = vector.broadcast %max3A : vector<512x1xf32> to vector<512x32xf32>
    %sub3A_11 = arith.subf %mul3A_3, %sub3A : vector<512x32xf32>
    %exp3A = math.exp %sub3A_11 : vector<512x32xf32>
    %sub3A_12 = vector.broadcast %max3A : vector<512x1xf32> to vector<512x128xf32>
    %sub3A_13 = arith.subf %get3A_6, %sub3A_12 : vector<512x128xf32>
    %exp3A_14 = math.exp %sub3A_13 : vector<512x128xf32>
    %reduce_sum3A = arith.constant dense<0.000000e+00> : vector<512xf32>
    %reduce_sum3A_15 = vector.multi_reduction <add>, %exp3A, %reduce_sum3A [1] : vector<512x32xf32> to vector<512xf32>
    %broadcast_in_dim3A_16 = vector.shape_cast %reduce_sum3A_15 : vector<512xf32> to vector<512x1xf32>
    %reduce_sum3A_17 = arith.constant dense<0.000000e+00> : vector<512xf32>
    %reduce_sum3A_18 = vector.multi_reduction <add>, %exp3A_14, %reduce_sum3A_17 [1] : vector<512x128xf32> to vector<512xf32>
    %broadcast_in_dim3A_19 = vector.shape_cast %reduce_sum3A_18 : vector<512xf32> to vector<512x1xf32>
    %add3A = arith.addf %broadcast_in_dim3A_16, %broadcast_in_dim3A_19 : vector<512x1xf32>
    %get3A_20 = arith.constant 0 : index
    %get3A_21 = arith.constant 0 : index
    %get3A_22 = vector.load %arg3[%get3A_20, %get3A_21] : memref<32x64xf32, #tpu.memory_space<vmem>>, vector<32x64xf32>
    %dot_general3A = arith.constant dense<0.000000e+00> : vector<512x64xf32>
    %dot_general3A_23 = tpu.matmul %exp3A, %get3A_22, %dot_general3A {dimension_numbers = #tpu.dot_dimension_numbers<[1], [0], [0], [1], [0, 0, 1, 1], [], []>, transpose_lhs_hint = false} : vector<512x32xf32>, vector<32x64xf32>, vector<512x64xf32> -> vector<512x64xf32>
    %get3A_24 = arith.constant 0 : index
    %get3A_25 = arith.constant 0 : index
    %get3A_26 = vector.load %arg4[%get3A_24, %get3A_25] : memref<128x64xf32, #tpu.memory_space<vmem>>, vector<128x64xf32>
    %dot_general3A_27 = arith.constant dense<0.000000e+00> : vector<512x64xf32>
    %dot_general3A_28 = tpu.matmul %exp3A_14, %get3A_26, %dot_general3A_27 {dimension_numbers = #tpu.dot_dimension_numbers<[1], [0], [0], [1], [0, 0, 1, 1], [], []>, transpose_lhs_hint = false} : vector<512x128xf32>, vector<128x64xf32>, vector<512x64xf32> -> vector<512x64xf32>
    %add3A_29 = arith.addf %dot_general3A_23, %dot_general3A_28 : vector<512x64xf32>
    %div3A = vector.broadcast %add3A : vector<512x1xf32> to vector<512x64xf32>
    %div3A_30 = arith.divf %add3A_29, %div3A : vector<512x64xf32>
    %get3A_31 = arith.constant 0 : index
    %get3A_32 = arith.constant 0 : index
    %get3A_33 = vector.load %arg5[%get3A_31, %get3A_32] : memref<1x64xf32, #tpu.memory_space<vmem>>, vector<1x64xf32>
    %add3A_34 = vector.broadcast %get3A_33 : vector<1x64xf32> to vector<512x64xf32>
    %add3A_35 = arith.addf %div3A_30, %add3A_34 : vector<512x64xf32>
    %swap3A = arith.constant 0 : index
    %swap3A_36 = arith.constant 0 : index
    %swap3A_37 = vector.load %arg6[%swap3A, %swap3A_36] : memref<512x64xf32, #tpu.memory_space<vmem>>, vector<512x64xf32>
    tpu.vector_store %arg6[%swap3A, %swap3A_36], %add3A_35 {strides = array<i32>} : memref<512x64xf32, #tpu.memory_space<vmem>>, vector<512x64xf32>,
    return
  }
  func.func @transform_0(%arg0: i32) -> (i32, i32) {
    %c0_i32 = arith.constant 0 : i32
    %c0_i32_0 = arith.constant 0 : i32
    return %arg0, %c0_i32 : i32, i32
  }
  func.func @transform_1(%arg0: i32) -> (i32, i32) {
    %c0_i32 = arith.constant 0 : i32
    %c0_i32_0 = arith.constant 0 : i32
    return %arg0, %c0_i32 : i32, i32
  }
  func.func @transform_2(%arg0: i32) -> (i32, i32) {
    %c0_i32 = arith.constant 0 : i32
    %c0_i32_0 = arith.constant 0 : i32
    %c0_i32_1 = arith.constant 0 : i32
    return %c0_i32, %c0_i32_0 : i32, i32
  }
  func.func @transform_3(%arg0: i32) -> (i32, i32) {
    %c0_i32 = arith.constant 0 : i32
    %c0_i32_0 = arith.constant 0 : i32
    %c0_i32_1 = arith.constant 0 : i32
    return %c0_i32, %c0_i32_0 : i32, i32
  }
  func.func @transform_4(%arg0: i32) -> (i32, i32) {
    %c0_i32 = arith.constant 0 : i32
    %c0_i32_0 = arith.constant 0 : i32
    %c0_i32_1 = arith.constant 0 : i32
    return %c0_i32, %c0_i32_0 : i32, i32
  }
  func.func @transform_5(%arg0: i32) -> (i32, i32) {
    %c0_i32 = arith.constant 0 : i32
    %c0_i32_0 = arith.constant 0 : i32
    return %arg0, %c0_i32 : i32, i32
  }
}

</mosaic_0001>

<sc_bundles>
// kernel: kernel.5.cloned.1.call-start
scs
__scs_entry_jumppad:
0x0: {  	(pc) =	sbr.rel $0x88, $3  }
0x1: {  	(tag) =	ssettag $0x0;
	lr =	simm.s32 $0x1  }
0x2: {  	[smem:$0x3F9C] =	sst lr;
	_ =	strace $0xD0000000  }
0x3: {  	_ = 	snop  }
0x4: {  	_ = 	snop  }
0x5: {  	_ = 	snop  }
0x6: {  	_ = 	snop  }
0x7: {  	_ = 	snop  }
__scs_overlays_trampoline_lowered:
0x8: {  	[smem:$0x3FAB] =	sst s0  }
0x9: {  	[smem:$0x3FAC] =	sst s1  }
0xa: {  	[smem:$0x3FAD] =	sst s2  }
0xb: {  	[smem:$0x3FAE] =	sst s3  }
0xc: {  	[smem:$0x3FAF] =	sst s4  }
0xd: {  	[smem:$0x3FB0] =	sst s5  }
0xe: {  	[smem:$0x3FB1] =	sst s6  }
0xf: {  	[smem:$0x3FB2] =	sst s7  }
0x10: {  	[smem:$0x3FB3] =	sst s8  }
0x11: {  	[smem:$0x3FB4] =	sst s9;
	s0 =	simm.s32 @!p0 $0x0  }
0x12: {  	s1 =	sld [smem:$0x3F9A];
	s0 =	simm.s32 @p0 $0x1  }
0x13: {  	[smem:$0x3FB5] =	sst s0;
	s0 =	simm.s32 @!p1 $0x0  }
0x14: {  	s2 =	sld [smem:$0x3F99];
	s0 =	simm.s32 @p1 $0x1  }
0x15: {  	[smem:$0x3FB6] =	sst s0;
	s0 =	simm.s32 @!p2 $0x0  }
0x16: {  	s3 =	sld [smem:$0x3FDB];
	s0 =	simm.s32 @p2 $0x1  }
0x17: {  	s4 =	simm.s32 $0x1BF5;
	[smem:$0x3FB8] =	sst s0  }
0x18: {  	s0 =	sld [smem:$0x3F9B];
	_ =	swait.ge [sflag:s4], $0x0  }
0x19: {  	s7 =	sld [smem:$0x3F9C]  }
0x1a: {  	s8 =	sadd.s32 $0xFFFFE003, lr  }
0x1b: {  	s9 =	sadd.s32 $0xFFFFFEF7, lr;
	s5 =	simm.s32 $0xFFFFFFFF;
	p2 =	slt.u32 s8, $0xFFFFF086  }
0x1c: {  	p1 =	slt.u32 s9, $0xF7A;
	s5 =	simm.s32 @!p2 $0x0  }
0x1d: {  	s5 =	simm.s32 @p1 $0x1;
	p0 =	seq.s32 s7, s2  }
0x1e: {  	s7 =	smul.u32 @!p0 $0xF7A, s2;
	p2 =	seq.s32 @!p0 s5, $0x0  }
0x1f: {  	s9 =	smul.u32 $0xF7A, s1;
	s8 =	simm.s32 @!p0 $0x1BF5;
	p2 =	por !p2, p0  }
0x20: {  	[sflag:s8] =	ssyncset.s32 @!p0 $0xFFFFF086;
	s6 =	sadd.s32 @!p0 s3, s7;
	s7 =	simm.s32 @!p0 $0x108  }
0x21: {  	s3 =	sadd.s32 s3, s9;
	s6 =	sadd.s32 @!p0 $0x88, s6;
	s7 =	simm.s32 @p2 $0x1082  }
0x22: {  	[simem:s7], [sflag:s8] =	dma.local @!p0 [hbm:s6], $0xF7A  }
0x23: {  	s9 =	sor.u32 $0xD0000000, s2;
	s6 =	simm.s32 $0x108;
	_ =	swait.ge @!p0 [sflag:s8], $0x0  }
0x24: {  	s3 =	sadd.s32 $0x88, s3;
	s6 =	simm.s32 @!p1 $0x1082;
	[sflag:s4] =	ssyncset.s32 $0xFFFFF086  }
0x25: {  	[simem:s6], [sflag:s4] =	dma.local [hbm:s3], $0xF7A  }
0x26: {  	[smem:$0x3F9C] =	sst s1;
	(tag) =	ssettag s2;
	_ =	strace s9  }
0x27: {  	s1 =	sld [smem:$0x3FAC]  }
0x28: {  	s2 =	sld [smem:$0x3FAD]  }
0x29: {  	s4 =	sld [smem:$0x3FAF]  }
0x2a: {  	p0 =	seq.s32 s5, $0x0;
	s5 =	sld [smem:$0x3FB0]  }
0x2b: {  	s6 =	sld [smem:$0x3FB1]  }
0x2c: {  	s7 =	sld [smem:$0x3FB2]  }
0x2d: {  	s3 =	simm.s32 $0x108;
	s8 =	sld [smem:$0x3FB3]  }
0x2e: {  	s3 =	simm.s32 @!p0 $0x1082;
	s9 =	sld [smem:$0x3FB4]  }
0x2f: {  	lr =	sadd.s32 s0, s3;
	s0 =	sld [smem:$0x3FAB]  }
0x30: {  	s3 =	sld [smem:$0x3FAE]  }
0x31: {  	[smem:$0x3FB7] =	sst s10  }
0x32: {  	s10 =	sld [smem:$0x3FB5];
	_ =	sdelay $0x3  }
0x33: {  	p0 =	seq.s32 s10, $0x1;
	s10 =	sld [smem:$0x3FB7];
	_ =	sdelay $0x3  }
0x34: {  	[smem:$0x3FB7] =	sst s10  }
0x35: {  	s10 =	sld [smem:$0x3FB6];
	_ =	sdelay $0x3  }
0x36: {  	p1 =	seq.s32 s10, $0x1;
	s10 =	sld [smem:$0x3FB7];
	_ =	sdelay $0x3  }
0x37: {  	[smem:$0x3FB7] =	sst s10  }
0x38: {  	s10 =	sld [smem:$0x3FB8]  }
0x39: {  	_ = 	snop;
	(pc) =	sbr.ind lr, $3  }
0x3a: {  	_ = 	snop  }
0x3b: {  	_ = 	snop  }
0x3c: {  	p2 =	seq.s32 s10, $0x1;
	s10 =	sld [smem:$0x3FB7]  }
0x3d: {  	_ =	shalt  }
0x3e: {  	_ =	shalt  }
0x3f: {  	_ =	shalt  }
0x40: {  	_ =	shalt  }
0x41: {  	_ =	shalt  }
0x42: {  	_ =	shalt  }
0x43: {  	_ =	shalt  }
0x44: {  	_ =	shalt  }
0x45: {  	_ =	shalt  }
0x46: {  	_ =	shalt  }
0x47: {  	_ =	shalt  }
0x48: {  	_ =	shalt  }
0x49: {  	_ =	shalt  }
0x4a: {  	_ =	shalt  }
0x4b: {  	_ =	shalt  }
0x4c: {  	_ =	shalt  }
0x4d: {  	_ =	shalt  }
0x4e: {  	_ =	shalt  }
0x4f: {  	_ =	shalt  }
0x50: {  	_ =	shalt  }
0x51: {  	_ =	shalt  }
0x52: {  	_ =	shalt  }
0x53: {  	_ =	shalt  }
0x54: {  	_ =	shalt  }
0x55: {  	_ =	shalt  }
0x56: {  	_ =	shalt  }
0x57: {  	_ =	shalt  }
0x58: {  	_ =	shalt  }
0x59: {  	_ =	shalt  }
0x5a: {  	_ =	shalt  }
0x5b: {  	_ =	shalt  }
0x5c: {  	_ =	shalt  }
0x5d: {  	_ =	shalt  }
0x5e: {  	_ =	shalt  }
0x5f: {  	_ =	shalt  }
0x60: {  	_ =	shalt  }
0x61: {  	_ =	shalt  }
0x62: {  	_ =	shalt  }
0x63: {  	_ =	shalt  }
0x64: {  	_ =	shalt  }
0x65: {  	_ =	shalt  }
0x66: {  	_ =	shalt  }
0x67: {  	_ =	shalt  }
0x68: {  	_ =	shalt  }
0x69: {  	_ =	shalt  }
0x6a: {  	_ =	shalt  }
0x6b: {  	_ =	shalt  }
0x6c: {  	_ =	shalt  }
0x6d: {  	_ =	shalt  }
0x6e: {  	_ =	shalt  }
0x6f: {  	_ =	shalt  }
0x70: {  	_ =	shalt  }
0x71: {  	_ =	shalt  }
0x72: {  	_ =	shalt  }
0x73: {  	_ =	shalt  }
0x74: {  	_ =	shalt  }
0x75: {  	_ =	shalt  }
0x76: {  	_ =	shalt  }
0x77: {  	_ =	shalt  }
0x78: {  	_ =	shalt  }
0x79: {  	_ =	shalt  }
0x7a: {  	_ =	shalt  }
0x7b: {  	_ =	shalt  }
0x7c: {  	_ =	shalt  }
0x7d: {  	_ =	shalt  }
0x7e: {  	_ =	shalt  }
0x7f: {  	_ =	shalt  }
0x80: {  	_ =	shalt  }
0x81: {  	_ =	shalt  }
0x82: {  	_ =	shalt  }
0x83: {  	_ =	shalt  }
0x84: {  	_ =	shalt  }
0x85: {  	_ =	shalt  }
0x86: {  	_ =	shalt  }
0x87: {  	_ =	shalt  }
.Lfunc_end0:
.L_simem_size_0:
called_computation_lowered:
.L_overlay_start_0:
0x88: {  	s2 =	sld [smem:$0x3FD9]  }
0x89: {  	s3 =	sld [smem:$0x3FFE];
	_ =	sdelay $0x1  }
0x8a: {  	s1 =	srdreg.scid  }
0x8b: {  	s0 =	sand.u32 $0x1, s1  }
0x8c: {  	s17 =	sshll.u32 s0, $0xA;
	s2 =	sadd.s32 s3, s2  }
0x8d: {  	s2 =	sadd.s32 s2, s17  }
0x8e: {  	[smem:$0x3FC3] =	sst s2  }
0x8f: {  	_ = 	snop  }
0x90: {  	s2 =	sld [smem:$0x3FD0];
	(tm) =	ssettm $0x1  }
0x91: {  	s18 =	sld [smem:$0x3FFB];
	_ =	sdelay $0x3  }
0x92: {  	_ =	strace s18  }
0x93: {  	s3 =	sld [smem:$0x3FFC];
	_ =	sdelay $0x3  }
0x94: {  	_ =	strace s3  }
0x95: {  	s3 =	sld [smem:$0x3FFD];
	_ =	sdelay $0x3  }
0x96: {  	_ =	strace s3  }
0x97: {  	_ =	strace $0x8FFFFFFF  }
0x98: {  	s19 =	sld [smem:$0x3FDB];
	_ =	sdelay $0x1  }
0x99: {  	s4 =	simm.s32 $_scs_section_size  }
0x9a: {  	s5 =	simm.s32 $_size__tile_overlayer_lowered;
	s6 =	simm.s32 $_tile_overlayer_lowered  }
0x9b: {  	s22 =	simm.s32 $0x1BFF;
	s21 =	sshll.u32 s6, $0x1;
	s3 =	sadd.s32 s4, s19  }
0x9c: {  	s7 =	simm.s32 $0x0;
	s20 =	sshll.u32 s5, $0x1;
	s5 =	sadd.s32 s21, s3  }
0x9d: {  	[timem:s7], [sflag:s22] =	dma.local [hbm:s5], s20  }
0x9e: {  	_ =	swait.ge [sflag:s22], s20  }
0x9f: {  	s4 =	ssub.s32 $0x0, s20;
	[sflag:s22] =	ssyncset.done $0x0  }
0xa0: {  	[sflag:s22] =	ssyncadd.s32 s4;
	_ =	sdelay $0x1  }
0xa1: {  	s23 =	simm.s32 $0x1B8B  }
0xa2: {  	_ =	swait.ge [sflag:s23], $0x1  }
0xa3: {  	[sflag:s23] =	ssyncset.done $0x0  }
0xa4: {  	s25 =	simm.s32 $0x1B8E;
	s24 =	sld [smem:$0x3FFE];
	[sflag:s23] =	ssyncadd.s32 $0xFFFFFFFF  }
0xa5: {  	s26 =	simm.s32 $execute0_lowered;
	[smem:$0x3FD2] =	sst s25  }
0xa6: {  	s5 =	sshll.u32 s26, $0x1;
	_ =	strace $0x80000046;
	[dreg:$0x1] =	wrdreg $0xFFFFFFFF  }
0xa7: {  	s28 =	simm.s32 $_size_execute0_lowered;
	s3 =	sadd.s32 s3, s5;
	[dreg:$0x0] =	wrdreg $0x0  }
0xa8: {  	s5 =	sshll.u32 s28, $0x1;
	[dreg:$0x2] =	wrdreg s3  }
0xa9: {  	[dreg:$0x3] =	wrdreg s5  }
0xaa: {  	[dreg:$0x4] =	wrdreg $0xC0  }
0xab: {  	_ =	task [dreg:s7], $0x5FFFF  }
0xac: {  	[dreg:$0x1] =	wrdreg $0xFFFFFFFF  }
0xad: {  	[dreg:$0x0] =	wrdreg $0x60  }
0xae: {  	[dreg:$0x2] =	wrdreg s24  }
0xaf: {  	[dreg:$0x3] =	wrdreg s2  }
0xb0: {  	[dreg:$0x4] =	wrdreg $0x9  }
0xb1: {  	_ =	task.clear_ibuf [dreg:s7], $0x5FFFF;
	_ =	strace $0x90000046  }
0xb2: {  	s29 =	simm.s32 $0x9;
	_ =	strace $0x80000048  }
0xb3: {  	_ =	swait.ge [sflag:s29], $0x1  }
0xb4: {  	[sflag:s29] =	ssyncadd.s32 $0xFFFFFFFF  }
0xb5: {  	_ =	strace $0x90000048  }
0xb6: {  	_ =	sfence  }
0xb7: {  	s30 =	sld [smem:$0x0];
	_ =	sdelay $0x2  }
0xb8: {  	s31 =	sshll.u32 s1, $0xD;
	s1 =	sshrl.u32 s1, $0x2  }
0xb9: {  	s3 =	sand.u32 $0x4000, s31;
	s1 =	sadd.s32 s1, s30  }
0xba: {  	s0 =	sor.u32 s3, s0;
	s1 =	sshll.u32 s1, $0x11  }
0xbb: {  	s0 =	sor.u32 s1, s0  }
0xbc: {  	s0 =	sadd.s32 $0x8F2B, s0  }
0xbd: {  	[sflag:s0] =	ssyncadd.remote.s32 $0x1  }
0xbe: {  	_ =	sfence.sel $0xFFFF  }
0xbf: {  	[dreg:$0x0] =	wrdreg $0xFFFFFFFF;
	(pc) =	sbr.abs _section_cstart, $3  }
0xc0: {  	[dreg:$0x1] =	wrdreg $0xFFFFFFFF  }
0xc1: {  	_ =	task.clear_ibuf [dreg:s7], $0x2FFFF;
	_ =	strace $0x9FFFFFFF  }
0xc2: {  	(tm) =	ssettm $0x7FFFFFFF  }
0xc3: {  	_ =	shalt  }
tec
execute0_lowered:
.L_overlay_start_1:
0x0: {  	(tag) =	ssettag $0x1  }
0x1: {  	s1 =	srdreg.scid;
	s4 =	rddreg [dreg:$0x0]  }
0x2: {  	s0 =	stileid.u32;
	s5 =	rddreg [dreg:$0x1]  }
0x3: {  	s2 =	simm.s32 $0x0;
	s10 =	simm.s32 $0xC800;
	s11 =	simm.s32 $0x48  }
0x4: {  	s12 =	simm.s32 $0x6480;
	s13 =	simm.s32 $0xD800;
	s14 =	simm.s32 $0xE100  }
0x5: {  	s15 =	simm.s32 $0xF100;
	s16 =	simm.s32 $0x1;
	s17 =	simm.s32 $0x2  }
0x6: {  	s18 =	simm.s32 $0xC738;
	s19 =	simm.s32 $0xC7B8;
	s20 =	simm.s32 $0xFA00  }
0x7: {  	s21 =	simm.s32 $0x0;
	s3 =	sand.u32 $0x1, s1;
	s1 =	rddreg [dreg:$0x2]  }
0x8: {  	s6 =	sshll.u32 s0, $0x8;
	[smem:$0x7FF] =	sst s2;
	s7 =	sshll.u32 s3, $0x7  }
0x9: {  	s8 =	ssub.s32 $0x2, s3;
	_ =	strace $0x80000047;
	s6 =	sor.u32 s7, s6  }
0xa: {  	s3 =	sadd.s32 $0x19E00, s4;
	s9 =	sshrl.u32 s8, $0x1;
	s7 =	smul.u32 $0x19, s6  }
0xb: {  	s31 =	ssub.s32 s8, s9;
	s6 =	sshll.u32 s6, $0x2;
	s8 =	simm.s32 $0x80  }
0xc: {  	s9 =	simm.s32 $0x6400;
	s5 =	sadd.s32 s5, s6;
	s4 =	sadd.s32 s7, s4  }
0xd: {  	s6 =	smax.u32 s31, $0x1;
	s7 =	simm.s32 $0x3;
	s4 =	sadd.s32 $0xE00, s4  }
.LBB2_1:
0xe: {  	[tilespmem:s2], [sflag:$0x3] =	stream.linear.gather [hbm4b:s4+s2], $0x6400, $0x38;
	[tilespmem:$0x10A00] =	vst v63  }
0xf: {  	_ =	swait.ge [sflag:s7], $0x6400  }
0x10: {  	[sflag:s7] =	ssyncset.done $0x0  }
0x11: {  	s22 =	simm.s32 $0x0;
	[sflag:s7] =	ssyncadd.s32 $0xFFFF9C00  }
0x12: {  	v0 =	vld [tilespmem:s22+$0xB0]  }
0x13: {  	v1 =	vld [tilespmem:s22+$0xB8]  }
0x14: {  	v2 =	vld [tilespmem:s22+$0x0]  }
0x15: {  	v3 =	vld [tilespmem:s22+$0x10]  }
0x16: {  	v4 =	vld [tilespmem:s22+$0x20]  }
0x17: {  	v5 =	vld [tilespmem:s22+$0x30]  }
0x18: {  	v6 =	vld [tilespmem:s22+$0x40]  }
0x19: {  	v11 =	vld [tilespmem:s22+$0x60]  }
0x1a: {  	v16 =	vld [tilespmem:s22+$0xA0]  }
0x1b: {  	v7 =	vshrl.u32 v0, $0xC  }
0x1c: {  	v8 =	vshll.u32 v0, $0x2;
	v0 =	vand.u32 $0xFFFFC000, v0;
	v10 =	vshrl.u32 v1, $0xC  }
0x1d: {  	v9 =	vld [tilespmem:s22+$0x50];
	v12 =	vshll.u32 v1, $0x2;
	v1 =	vand.u32 $0xFFFFC000, v1;
	v13 =	vshll.u32 v4, $0x2  }
0x1e: {  	v14 =	vshll.u32 v5, $0x2;
	v15 =	vshll.u32 v6, $0x2;
	v17 =	vshll.u32 v11, $0x2  }
0x1f: {  	v20 =	vshrl.u32 v2, $0xC;
	v22 =	vshll.u32 v16, $0x2;
	v23 =	vshrl.u32 v3, $0xC  }
0x20: {  	v24 =	vshrl.u32 v4, $0xC;
	v4 =	vand.u32 $0xFFFFC000, v4;
	v25 =	vshrl.u32 v5, $0xC  }
0x21: {  	v5 =	vand.u32 $0xFFFFC000, v5;
	v26 =	vshrl.u32 v6, $0xC;
	v6 =	vand.u32 $0xFFFFC000, v6  }
0x22: {  	v27 =	vshrl.u32 v9, $0xC;
	v28 =	vand.u32 $0xFFFFC000, v9;
	v29 =	vshrl.u32 v11, $0xC  }
0x23: {  	v11 =	vand.u32 $0xFFFFC000, v11;
	v35 =	vshrl.u32 v16, $0xC;
	v16 =	vand.u32 $0xFFFFC000, v16  }
0x24: {  	v8 =	vand.u32 $0x3FFC, v8;
	v7 =	vand.u32 $0x3, v7;
	v12 =	vand.u32 $0x3FFC, v12  }
0x25: {  	v10 =	vand.u32 $0x3, v10;
	v13 =	vand.u32 $0x3FFC, v13;
	v14 =	vand.u32 $0x3FFC, v14  }
0x26: {  	v15 =	vand.u32 $0x3FFC, v15;
	v17 =	vand.u32 $0x3FFC, v17;
	v0 =	vor.u32 v0, v8  }
0x27: {  	v22 =	vand.u32 $0x3FFC, v22;
	v1 =	vor.u32 v1, v12;
	v0 =	vor.u32 v7, v0  }
0x28: {  	v8 =	vld [tilespmem:s22+$0x70];
	v12 =	vshll.u32 v3, $0x2;
	v3 =	vand.u32 $0xFFFFC000, v3;
	[tilespmem:s22+$0x64B0] =	vst v0;
	v0 =	vshll.u32 v2, $0x2  }
0x29: {  	v7 =	vld [tilespmem:s22+$0x80];
	v1 =	vor.u32 v10, v1;
	v2 =	vand.u32 $0xFFFFC000, v2;
	v0 =	vand.u32 $0x3FFC, v0  }
0x2a: {  	v10 =	vld [tilespmem:s22+$0x90];
	[tilespmem:s22+$0x64B8] =	vst v1;
	v1 =	vand.u32 $0x3FFC, v12;
	v12 =	vshll.u32 v9, $0x2;
	v9 =	vor.u32 v5, v14  }
0x2b: {  	v14 =	vand.u32 $0x3, v27;
	v12 =	vand.u32 $0x3FFC, v12;
	v36 =	vor.u32 v2, v0  }
0x2c: {  	v37 =	vor.u32 v3, v1;
	v2 =	vor.u32 v16, v22;
	v16 =	vand.u32 $0x3, v25  }
0x2d: {  	v18 =	vshll.u32 v8, $0x2;
	v30 =	vshrl.u32 v8, $0xC;
	v8 =	vand.u32 $0xFFFFC000, v8  }
0x2e: {  	v3 =	vor.u32 v28, v12;
	v18 =	vand.u32 $0x3FFC, v18;
	v19 =	vshll.u32 v7, $0x2  }
0x2f: {  	v21 =	vshll.u32 v10, $0x2;
	v31 =	vshrl.u32 v7, $0xC;
	v32 =	vand.u32 $0xFFFFC000, v7  }
0x30: {  	v33 =	vshrl.u32 v10, $0xC;
	v34 =	vand.u32 $0xFFFFC000, v10;
	v10 =	vor.u32 v4, v13  }
0x31: {  	v7 =	vor.u32 v6, v15;
	v4 =	vor.u32 v11, v17;
	v17 =	vand.u32 $0x3, v26  }
0x32: {  	v13 =	vand.u32 $0x3, v29;
	v15 =	vand.u32 $0x3, v30;
	v19 =	vand.u32 $0x3FFC, v19  }
0x33: {  	v21 =	vand.u32 $0x3FFC, v21;
	v5 =	vor.u32 v8, v18;
	v18 =	vand.u32 $0x3, v24  }
0x34: {  	s23 =	simm.s32 $0xC8;
	v11 =	vand.u32 $0x3, v31;
	v12 =	vand.u32 $0x3, v33;
	v0 =	vor.u32 v32, v19  }
0x35: {  	v8 =	vld [tilespmem:s23+$0xB0];
	v19 =	vand.u32 $0x3, v20;
	v1 =	vor.u32 v34, v21;
	v20 =	vand.u32 $0x3, v23  }
0x36: {  	s24 =	simm.s32 $0x640;
	v6 =	vld [tilespmem:s23+$0xB8];
	v21 =	vor.u32 v19, v36;
	v20 =	vor.u32 v20, v37;
	v19 =	vand.u32 $0x3, v35  }
.LBB2_2:
0x37: {  	p0 =	sne.s32 s24, $0x18CE0;
	v22 =	vld [tilespmem:s23+$0x0];
	[tilespmem:s22+$0x6400] =	vst v21;
	v10 =	vor.u32 v18, v10;
	v9 =	vor.u32 v16, v9;
	v7 =	vor.u32 v17, v7  }
0x38: {  	v3 =	vor.u32 v14, v3;
	v4 =	vor.u32 v13, v4;
	v5 =	vor.u32 v15, v5;
	v16 =	vld [tilespmem:s23+$0x10];
	[tilespmem:s22+$0x6410] =	vst v20  }
0x39: {  	v0 =	vor.u32 v11, v0;
	v1 =	vor.u32 v12, v1;
	v2 =	vor.u32 v19, v2;
	v13 =	vld [tilespmem:s23+$0x20];
	[tilespmem:s22+$0x6420] =	vst v10  }
0x3a: {  	v10 =	vld [tilespmem:s23+$0x30];
	v11 =	vshrl.u32 v8, $0xC;
	[tilespmem:s22+$0x6430] =	vst v9  }
0x3b: {  	v12 =	vshll.u32 v8, $0x2;
	v8 =	vand.u32 $0xFFFFC000, v8;
	v9 =	vld [tilespmem:s23+$0x40];
	v14 =	vshrl.u32 v6, $0xC;
	[tilespmem:s22+$0x6440] =	vst v7  }
0x3c: {  	v12 =	vand.u32 $0x3FFC, v12;
	v15 =	vshll.u32 v6, $0x2;
	v6 =	vand.u32 $0xFFFFC000, v6;
	v7 =	vld [tilespmem:s23+$0x50];
	[tilespmem:s22+$0x6450] =	vst v3  }
0x3d: {  	v11 =	vand.u32 $0x3, v11;
	v8 =	vor.u32 v8, v12;
	v12 =	vand.u32 $0x3FFC, v15;
	v3 =	vld [tilespmem:s23+$0x60];
	[tilespmem:s22+$0x6460] =	vst v4  }
0x3e: {  	v8 =	vor.u32 v11, v8;
	v11 =	vand.u32 $0x3, v14;
	v6 =	vor.u32 v6, v12;
	v4 =	vld [tilespmem:s23+$0x70];
	[tilespmem:s22+$0x6470] =	vst v5  }
0x3f: {  	v12 =	vshll.u32 v16, $0x2;
	v5 =	vshll.u32 v22, $0x2;
	v6 =	vor.u32 v11, v6;
	v14 =	vld [tilespmem:s23+$0x80];
	[tilespmem:s23+$0x64B0] =	vst v8  }
0x40: {  	v8 =	vshll.u32 v13, $0x2;
	v11 =	vshll.u32 v10, $0x2;
	v15 =	vshll.u32 v9, $0x2;
	v17 =	vld [tilespmem:s23+$0x90];
	[tilespmem:s23+$0x64B8] =	vst v6  }
0x41: {  	v5 =	vand.u32 $0x3FFC, v5;
	v6 =	vand.u32 $0x3FFC, v12;
	v12 =	vshll.u32 v7, $0x2;
	v18 =	vld [tilespmem:s23+$0xA0];
	[tilespmem:s22+$0x6480] =	vst v0  }
0x42: {  	v0 =	vand.u32 $0x3FFC, v8;
	v8 =	vand.u32 $0x3FFC, v11;
	v11 =	vshll.u32 v3, $0x2;
	[tilespmem:s22+$0x6490] =	vst v1  }
0x43: {  	v1 =	vand.u32 $0x3FFC, v15;
	v12 =	vand.u32 $0x3FFC, v12;
	v15 =	vshll.u32 v4, $0x2;
	[tilespmem:s22+$0x64A0] =	vst v2;
	s22 =	smov.u32 s23  }
0x44: {  	v2 =	vand.u32 $0x3FFC, v11;
	v11 =	vand.u32 $0x3FFC, v15;
	v15 =	vshll.u32 v14, $0x2  }
0x45: {  	v19 =	vshrl.u32 v22, $0xC;
	v15 =	vand.u32 $0x3FFC, v15;
	v20 =	vshll.u32 v17, $0x2  }
0x46: {  	v21 =	vand.u32 $0xFFFFC000, v22;
	v20 =	vand.u32 $0x3FFC, v20;
	v22 =	vshll.u32 v18, $0x2  }
0x47: {  	v23 =	vshrl.u32 v16, $0xC;
	v16 =	vand.u32 $0xFFFFC000, v16;
	v22 =	vand.u32 $0x3FFC, v22  }
0x48: {  	v24 =	vshrl.u32 v13, $0xC;
	v13 =	vand.u32 $0xFFFFC000, v13;
	v25 =	vshrl.u32 v10, $0xC  }
0x49: {  	v26 =	vand.u32 $0xFFFFC000, v10;
	v27 =	vshrl.u32 v9, $0xC;
	v28 =	vand.u32 $0xFFFFC000, v9  }
0x4a: {  	v29 =	vshrl.u32 v7, $0xC;
	v30 =	vand.u32 $0xFFFFC000, v7;
	v31 =	vshrl.u32 v3, $0xC  }
0x4b: {  	v32 =	vand.u32 $0xFFFFC000, v3;
	v33 =	vshrl.u32 v4, $0xC;
	v34 =	vand.u32 $0xFFFFC000, v4  }
0x4c: {  	v35 =	vshrl.u32 v14, $0xC;
	v14 =	vand.u32 $0xFFFFC000, v14;
	v36 =	vshrl.u32 v17, $0xC  }
0x4d: {  	v17 =	vand.u32 $0xFFFFC000, v17;
	v37 =	vshrl.u32 v18, $0xC;
	v18 =	vand.u32 $0xFFFFC000, v18  }
0x4e: {  	v21 =	vor.u32 v21, v5;
	v38 =	vor.u32 v16, v6;
	v10 =	vor.u32 v13, v0  }
0x4f: {  	v9 =	vor.u32 v26, v8;
	v7 =	vor.u32 v28, v1;
	v3 =	vor.u32 v30, v12  }
0x50: {  	v4 =	vor.u32 v32, v2;
	v5 =	vor.u32 v34, v11;
	v0 =	vor.u32 v14, v15  }
.Ltmp0:
0x51: {  	v19 =	vand.u32 $0x3, v19;
	v1 =	vor.u32 v17, v20;
	v2 =	vor.u32 v18, v22;
	(pc) =	sbr.rel @p0 .LBB2_2-.Ltmp0, $4  }
0x52: {  	v16 =	vand.u32 $0x3, v25;
	v20 =	vand.u32 $0x3, v23;
	v18 =	vand.u32 $0x3, v24  }
0x53: {  	s23 =	sshra.s32 s24, $0x2;
	v13 =	vand.u32 $0x3, v31;
	v14 =	vand.u32 $0x3, v29;
	v17 =	vand.u32 $0x3, v27  }
0x54: {  	v11 =	vand.u32 $0x3, v35;
	v15 =	vand.u32 $0x3, v33;
	v12 =	vand.u32 $0x3, v36;
	v8 =	vld [tilespmem:s23+$0xB0]  }
0x55: {  	v21 =	vor.u32 v19, v21;
	s24 =	sadd.s32 $0x320, s24;
	v19 =	vand.u32 $0x3, v37;
	v20 =	vor.u32 v20, v38;
	v6 =	vld [tilespmem:s23+$0xB8]  }
0x56: {  	v10 =	vor.u32 v18, v10;
	v9 =	vor.u32 v16, v9;
	v7 =	vor.u32 v17, v7  }
0x57: {  	v22 =	vld [tilespmem:s23+$0x0];
	[tilespmem:s22+$0x6400] =	vst v21;
	v3 =	vor.u32 v14, v3;
	v4 =	vor.u32 v13, v4;
	v5 =	vor.u32 v15, v5  }
0x58: {  	v0 =	vor.u32 v11, v0;
	v1 =	vor.u32 v12, v1;
	v2 =	vor.u32 v19, v2;
	v21 =	vld [tilespmem:s23+$0x10];
	[tilespmem:s22+$0x6410] =	vst v20  }
0x59: {  	v49 =	vld [tilespmem:s23+$0x20];
	[tilespmem:s22+$0x6420] =	vst v10;
	v50 =	vshrl.u32 v8, $0xC;
	v51 =	vshll.u32 v8, $0x2;
	v52 =	vand.u32 $0xFFFFC000, v8  }
0x5a: {  	v10 =	vld [tilespmem:s23+$0x30];
	[tilespmem:s22+$0x6430] =	vst v9;
	v53 =	vshrl.u32 v6, $0xC;
	v12 =	vand.u32 $0x3FFC, v51;
	v54 =	vshll.u32 v6, $0x2  }
0x5b: {  	v9 =	vld [tilespmem:s23+$0x40];
	[tilespmem:s22+$0x6440] =	vst v7;
	v56 =	vand.u32 $0xFFFFC000, v6;
	v11 =	vand.u32 $0x3, v50;
	v8 =	vor.u32 v52, v12  }
0x5c: {  	v7 =	vld [tilespmem:s23+$0x50];
	[tilespmem:s22+$0x6450] =	vst v3;
	v57 =	vand.u32 $0x3FFC, v54;
	v59 =	vshll.u32 v22, $0x2;
	v23 =	vshrl.u32 v22, $0xC  }
0x5d: {  	v22 =	vand.u32 $0xFFFFC000, v22;
	v3 =	vld [tilespmem:s23+$0x60];
	[tilespmem:s22+$0x6460] =	vst v4;
	v8 =	vor.u32 v11, v8;
	v4 =	vand.u32 $0x3, v53  }
0x5e: {  	v60 =	vshll.u32 v21, $0x2;
	v36 =	vand.u32 $0x3FFC, v59;
	v26 =	vshrl.u32 v21, $0xC  }
0x5f: {  	v21 =	vand.u32 $0xFFFFC000, v21;
	v46 =	vand.u32 $0x3, v23;
	v55 =	vld [tilespmem:s23+$0x70];
	[tilespmem:s22+$0x6470] =	vst v5;
	v5 =	vor.u32 v56, v57  }
0x60: {  	v61 =	vshll.u32 v49, $0x2;
	v37 =	vand.u32 $0x3FFC, v60;
	v27 =	vshrl.u32 v49, $0xC  }
0x61: {  	v18 =	vand.u32 $0xFFFFC000, v49;
	v43 =	vor.u32 v22, v36;
	v48 =	vand.u32 $0x3, v26  }
0x62: {  	v4 =	vor.u32 v4, v5;
	v62 =	vshll.u32 v10, $0x2;
	v5 =	vand.u32 $0x3FFC, v61  }
0x63: {  	v28 =	vshrl.u32 v10, $0xC;
	v10 =	vand.u32 $0xFFFFC000, v10;
	v47 =	vor.u32 v21, v37  }
0x64: {  	[tilespmem:s23+$0x64B0] =	vst v8;
	v49 =	vand.u32 $0x3, v27;
	v35 =	vshll.u32 v9, $0x2;
	v8 =	vand.u32 $0x3FFC, v62  }
0x65: {  	v58 =	vld [tilespmem:s23+$0x80];
	v29 =	vshrl.u32 v9, $0xC;
	v9 =	vand.u32 $0xFFFFC000, v9;
	v5 =	vor.u32 v18, v5  }
0x66: {  	v63 =	vld [tilespmem:s23+$0x90];
	[tilespmem:s23+$0x64B8] =	vst v4;
	v51 =	vand.u32 $0x3, v28;
	v38 =	vshll.u32 v7, $0x2;
	v15 =	vand.u32 $0x3FFC, v35  }
0x67: {  	v39 =	vld [tilespmem:s23+$0xA0];
	v30 =	vshrl.u32 v7, $0xC;
	v7 =	vand.u32 $0xFFFFC000, v7;
	[tilespmem:s22+$0x6480] =	vst v0;
	v0 =	vor.u32 v46, v43  }
0x68: {  	[tilespmem:s22+$0x64A0] =	vst v2;
	v2 =	vor.u32 v48, v47;
	v50 =	vor.u32 v10, v8;
	v5 =	vor.u32 v49, v5  }
0x69: {  	v53 =	vand.u32 $0x3, v29;
	v40 =	vshll.u32 v3, $0x2;
	v12 =	vand.u32 $0x3FFC, v38  }
0x6a: {  	[tilespmem:s22+$0x6490] =	vst v1;
	v31 =	vshrl.u32 v3, $0xC;
	v3 =	vand.u32 $0xFFFFC000, v3;
	v52 =	vor.u32 v9, v15  }
0x6b: {  	[tilespmem:s23+$0x6400] =	vst v0;
	v0 =	vor.u32 v51, v50;
	v41 =	vshll.u32 v55, $0x2;
	v17 =	vand.u32 $0x3FFC, v40  }
0x6c: {  	v32 =	vshrl.u32 v55, $0xC;
	v14 =	vand.u32 $0xFFFFC000, v55;
	v54 =	vor.u32 v7, v12  }
0x6d: {  	[tilespmem:s23+$0x6410] =	vst v2;
	v55 =	vand.u32 $0x3, v30;
	v2 =	vor.u32 v53, v52;
	v57 =	vand.u32 $0x3, v31  }
0x6e: {  	v19 =	vand.u32 $0x3FFC, v41;
	v42 =	vshll.u32 v58, $0x2;
	v24 =	vshll.u32 v63, $0x2  }
0x6f: {  	v25 =	vshll.u32 v39, $0x2;
	v33 =	vshrl.u32 v58, $0xC;
	v11 =	vand.u32 $0xFFFFC000, v58  }
0x70: {  	[tilespmem:s23+$0x6420] =	vst v5;
	v44 =	vshrl.u32 v63, $0xC;
	v13 =	vand.u32 $0xFFFFC000, v63;
	v45 =	vshrl.u32 v39, $0xC  }
0x71: {  	[tilespmem:s23+$0x6430] =	vst v0;
	v16 =	vand.u32 $0xFFFFC000, v39;
	v56 =	vor.u32 v3, v17;
	v5 =	vor.u32 v55, v54  }
0x72: {  	[tilespmem:s23+$0x6440] =	vst v2;
	v59 =	vand.u32 $0x3, v32;
	v20 =	vand.u32 $0x3FFC, v42;
	v24 =	vand.u32 $0x3FFC, v24  }
0x73: {  	v25 =	vand.u32 $0x3FFC, v25;
	v58 =	vor.u32 v14, v19;
	v0 =	vor.u32 v57, v56;
	[tilespmem:s23+$0x6450] =	vst v5  }
0x74: {  	v61 =	vand.u32 $0x3, v33;
	v60 =	vor.u32 v11, v20;
	v2 =	vor.u32 v59, v58;
	[tilespmem:s23+$0x6460] =	vst v0  }
0x75: {  	v4 =	vand.u32 $0x3, v44;
	v62 =	vor.u32 v13, v24;
	v3 =	vor.u32 v61, v60;
	[tilespmem:s23+$0x6470] =	vst v2  }
0x76: {  	v1 =	vand.u32 $0x3, v45;
	v63 =	vor.u32 v16, v25;
	v0 =	vor.u32 v4, v62;
	[tilespmem:s23+$0x6480] =	vst v3  }
0x77: {  	v1 =	vor.u32 v1, v63;
	[tilespmem:s23+$0x6490] =	vst v0  }
0x78: {  	[tilespmem:s23+$0x64A0] =	vst v1  }
0x79: {  	[tilespmem:s10], [sflag:$0x1] =	stream.indirect.gather [hbm4b:s3+s8], $0x20, s9, s8, $0xb8;
	[tilespmem:$0x10A00] =	vst v63  }
0x7a: {  	s22 =	simm.s32 $0x0  }
0x7b: {  	[tilespmem:s13], [sflag:$0x1] =	stream.indirect.gather [hbm4b:s3+s11], $0x20, s12, s11, $0xb8;
	[tilespmem:$0x10A00] =	vst v63  }
.LBB2_4:
0x7c: {  	s23 =	sshllo.u32 s22, $0x1  }
0x7d: {  	s24 =	smul.u32 $0x320, s23;
	_ =	sdelay $0x1  }
0x7e: {  	s24 =	sshra.s32 s24, $0x2  }
0x7f: {  	s25 =	sadd.s32 $0x6400, s24  }
0x80: {  	[tilespmem:s14], [sflag:$0x2] =	stream.indirect.gather [hbm4b:s3+s8], $0x20, s25, s8, $0xb8;
	[tilespmem:$0x10A00] =	vst v63  }
0x81: {  	s24 =	sadd.s32 $0x6480, s24  }
0x82: {  	[tilespmem:s15], [sflag:$0x2] =	stream.indirect.gather [hbm4b:s3+s11], $0x20, s24, s11, $0xb8;
	[tilespmem:$0x10A00] =	vst v63  }
0x83: {  	_ =	swait.ge [sflag:s16], $0x1000  }
0x84: {  	[sflag:s16] =	ssyncset.done $0x0  }
0x85: {  	[sflag:s16] =	ssyncadd.s32 $0xFFFFF000  }
0x86: {  	_ =	swait.ge [sflag:s16], $0x900  }
0x87: {  	[sflag:s16] =	ssyncset.done $0x0  }
0x88: {  	s26 =	simm.s32 $0x0;
	[sflag:s16] =	ssyncadd.s32 $0xFFFFF700  }
0x89: {  	v0 =	vld [tilespmem:s26+$0xC8F0]  }
0x8a: {  	v1 =	vld [tilespmem:s26+$0xC800]  }
0x8b: {  	v2 =	vld [tilespmem:s26+$0xC810]  }
0x8c: {  	v3 =	vld [tilespmem:s26+$0xC820]  }
0x8d: {  	v4 =	vld [tilespmem:s26+$0xC830]  }
0x8e: {  	v5 =	vld [tilespmem:s26+$0xC840]  }
0x8f: {  	v12 =	vld [tilespmem:s26+$0xC850]  }
0x90: {  	v13 =	vld [tilespmem:s26+$0xC860]  }
0x91: {  	v14 =	vld [tilespmem:s26+$0xC870]  }
0x92: {  	v11 =	vimm.f32 $0.0e+00;
	v15 =	vld [tilespmem:s26+$0xC880]  }
0x93: {  	v20 =	vld [tilespmem:s26+$0xC890];
	v0 =	vadd.f32 v0, v11  }
0x94: {  	v9 =	vadd.f32 v1, v11;
	v6 =	vadd.f32 v2, v11  }
0x95: {  	v16 =	vld [tilespmem:s26+$0xC8A0];
	v10 =	vadd.f32 v3, v11;
	v7 =	vadd.f32 v4, v11  }
0x96: {  	v17 =	vld [tilespmem:s26+$0xC8B0];
	v8 =	vadd.f32 v5, v11;
	v5 =	vadd.f32 v12, v11  }
0x97: {  	v18 =	vld [tilespmem:s26+$0xC8C0];
	v4 =	vadd.f32 v13, v11;
	v3 =	vadd.f32 v14, v11  }
0x98: {  	v19 =	vld [tilespmem:s26+$0xC8D0];
	v2 =	vadd.f32 v15, v11;
	v1 =	vadd.f32 v20, v11;
	v12 =	vimm.f32 $0.0e+00  }
0x99: {  	s25 =	simm.s32 $0x800;
	s24 =	simm.s32 $0x100;
	v20 =	vld [tilespmem:s26+$0xC8E0];
	v15 =	vimm.f32 $0.0e+00;
	v13 =	vimm.f32 $0.0e+00;
	v14 =	vimm.f32 $0.0e+00  }
.LBB2_5:
0x9a: {  	p0 =	sne.s32 s25, $0x6000;
	v21 =	vld [tilespmem:s24+$0xC8F0];
	v11 =	vadd.f32 v16, v11  }
0x9b: {  	v16 =	vld [tilespmem:s24+$0xC800];
	v12 =	vadd.f32 v17, v12  }
0x9c: {  	v17 =	vld [tilespmem:s24+$0xC810];
	v15 =	vadd.f32 v18, v15  }
0x9d: {  	v18 =	vld [tilespmem:s24+$0xC820];
	v13 =	vadd.f32 v19, v13  }
0x9e: {  	v19 =	vld [tilespmem:s24+$0xC830];
	v14 =	vadd.f32 v20, v14  }
0x9f: {  	v20 =	vld [tilespmem:s24+$0xC840];
	v0 =	vadd.f32 v21, v0  }
0xa0: {  	v9 =	vadd.f32 v16, v9;
	v16 =	vld [tilespmem:s24+$0xC850]  }
0xa1: {  	v6 =	vadd.f32 v17, v6;
	v17 =	vld [tilespmem:s24+$0xC860]  }
0xa2: {  	v10 =	vadd.f32 v18, v10;
	v18 =	vld [tilespmem:s24+$0xC870]  }
0xa3: {  	v7 =	vadd.f32 v19, v7;
	v19 =	vld [tilespmem:s24+$0xC880]  }
0xa4: {  	v8 =	vadd.f32 v20, v8;
	v20 =	vld [tilespmem:s24+$0xC890]  }
.Ltmp1:
0xa5: {  	v5 =	vadd.f32 v16, v5;
	v16 =	vld [tilespmem:s24+$0xC8A0];
	(pc) =	sbr.rel @p0 .LBB2_5-.Ltmp1, $4  }
0xa6: {  	v4 =	vadd.f32 v17, v4;
	v17 =	vld [tilespmem:s24+$0xC8B0]  }
0xa7: {  	v3 =	vadd.f32 v18, v3;
	v18 =	vld [tilespmem:s24+$0xC8C0]  }
0xa8: {  	v2 =	vadd.f32 v19, v2;
	v19 =	vld [tilespmem:s24+$0xC8D0]  }
0xa9: {  	v1 =	vadd.f32 v20, v1;
	v20 =	vld [tilespmem:s24+$0xC8E0];
	s24 =	sshra.s32 s25, $0x2;
	s25 =	sadd.s32 $0x400, s25  }
0xaa: {  	v21 =	vld [tilespmem:s24+$0xC800]  }
0xab: {  	v22 =	vld [tilespmem:s24+$0xC810]  }
0xac: {  	v23 =	vld [tilespmem:s24+$0xC820]  }
0xad: {  	v24 =	vld [tilespmem:s24+$0xC830]  }
0xae: {  	v11 =	vadd.f32 v16, v11;
	v16 =	vld [tilespmem:s24+$0xC840]  }
0xaf: {  	v12 =	vadd.f32 v17, v12;
	v17 =	vld [tilespmem:s24+$0xC850];
	v15 =	vadd.f32 v18, v15  }
0xb0: {  	v18 =	vld [tilespmem:s24+$0xC860];
	v13 =	vadd.f32 v19, v13;
	v14 =	vadd.f32 v20, v14  }
0xb1: {  	v19 =	vld [tilespmem:s24+$0xC870];
	v9 =	vadd.f32 v21, v9;
	v10 =	vadd.f32 v23, v10  }
0xb2: {  	v20 =	vld [tilespmem:s24+$0xC880];
	v6 =	vadd.f32 v22, v6;
	v7 =	vadd.f32 v24, v7  }
0xb3: {  	v8 =	vadd.f32 v16, v8;
	v16 =	vld [tilespmem:s24+$0xC890];
	v9 =	vadd.f32 v10, v9  }
0xb4: {  	v5 =	vadd.f32 v17, v5;
	v10 =	vld [tilespmem:s24+$0xC8A0];
	v6 =	vadd.f32 v7, v6  }
0xb5: {  	v4 =	vadd.f32 v18, v4;
	v7 =	vld [tilespmem:s24+$0xC8B0];
	v8 =	vadd.f32 v8, v9  }
0xb6: {  	v3 =	vadd.f32 v19, v3;
	v9 =	vld [tilespmem:s24+$0xC8C0];
	v5 =	vadd.f32 v5, v6  }
0xb7: {  	v2 =	vadd.f32 v20, v2;
	v6 =	vld [tilespmem:s24+$0xC8D0];
	v4 =	vadd.f32 v4, v8  }
0xb8: {  	v1 =	vadd.f32 v16, v1;
	v8 =	vld [tilespmem:s24+$0xC8E0];
	v3 =	vadd.f32 v3, v5  }
0xb9: {  	v5 =	vld [tilespmem:s24+$0xC8F0];
	v10 =	vadd.f32 v10, v11;
	v2 =	vadd.f32 v2, v4  }
0xba: {  	v4 =	vadd.f32 v7, v12;
	v1 =	vadd.f32 v1, v3  }
0xbb: {  	v3 =	vadd.f32 v9, v15;
	v2 =	vadd.f32 v10, v2  }
0xbc: {  	v6 =	vadd.f32 v6, v13;
	v1 =	vadd.f32 v4, v1  }
0xbd: {  	v4 =	vadd.f32 v8, v14;
	v2 =	vadd.f32 v3, v2  }
0xbe: {  	v0 =	vadd.f32 v5, v0;
	v1 =	vadd.f32 v6, v1  }
0xbf: {  	s29 =	sshll.u32 s22, $0x6;
	s25 =	smul.u32 $0x640, s22;
	v2 =	vadd.f32 v4, v2  }
0xc0: {  	s24 =	sand.u32 $0x3FFFFFC0, s29;
	v0 =	vadd.f32 v0, v1  }
0xc1: {  	s25 =	sshra.s32 s25, $0x2;
	[tilespmem:s24+$0xFA00] =	vst v2  }
0xc2: {  	s30 =	sadd.s32 $0x6590, s25;
	[tilespmem:s24+$0xFA10] =	vst v0  }
0xc3: {  	[tilespmem:s10], [sflag:$0x1] =	stream.indirect.gather [hbm4b:s3+s8], $0x20, s30, s8, $0xb8;
	[tilespmem:$0x10A00] =	vst v63  }
0xc4: {  	s31 =	sadd.s32 $0x6610, s25  }
0xc5: {  	[tilespmem:s13], [sflag:$0x1] =	stream.indirect.gather [hbm4b:s3+s11], $0x20, s31, s11, $0xb8;
	[tilespmem:$0x10A00] =	vst v63  }
0xc6: {  	_ =	swait.ge [sflag:s17], $0x1000  }
0xc7: {  	[sflag:s17] =	ssyncset.done $0x0  }
0xc8: {  	[sflag:s17] =	ssyncadd.s32 $0xFFFFF000  }
0xc9: {  	_ =	swait.ge [sflag:s17], $0x900  }
0xca: {  	[sflag:s17] =	ssyncset.done $0x0  }
0xcb: {  	s26 =	simm.s32 $0x0;
	[sflag:s17] =	ssyncadd.s32 $0xFFFFF700  }
0xcc: {  	v0 =	vld [tilespmem:s26+$0xE1F0]  }
0xcd: {  	v1 =	vld [tilespmem:s26+$0xE100]  }
0xce: {  	v2 =	vld [tilespmem:s26+$0xE110]  }
0xcf: {  	v3 =	vld [tilespmem:s26+$0xE120]  }
0xd0: {  	v4 =	vld [tilespmem:s26+$0xE130]  }
0xd1: {  	v5 =	vld [tilespmem:s26+$0xE140]  }
0xd2: {  	v12 =	vld [tilespmem:s26+$0xE150]  }
0xd3: {  	v13 =	vld [tilespmem:s26+$0xE160]  }
0xd4: {  	v14 =	vld [tilespmem:s26+$0xE170]  }
0xd5: {  	v11 =	vimm.f32 $0.0e+00;
	v15 =	vld [tilespmem:s26+$0xE180]  }
0xd6: {  	v20 =	vld [tilespmem:s26+$0xE190];
	v0 =	vadd.f32 v0, v11  }
0xd7: {  	v9 =	vadd.f32 v1, v11;
	v6 =	vadd.f32 v2, v11  }
0xd8: {  	v16 =	vld [tilespmem:s26+$0xE1A0];
	v10 =	vadd.f32 v3, v11;
	v7 =	vadd.f32 v4, v11  }
0xd9: {  	v17 =	vld [tilespmem:s26+$0xE1B0];
	v8 =	vadd.f32 v5, v11;
	v5 =	vadd.f32 v12, v11  }
0xda: {  	v18 =	vld [tilespmem:s26+$0xE1C0];
	v4 =	vadd.f32 v13, v11;
	v3 =	vadd.f32 v14, v11  }
0xdb: {  	v19 =	vld [tilespmem:s26+$0xE1D0];
	v2 =	vadd.f32 v15, v11;
	v1 =	vadd.f32 v20, v11;
	v12 =	vimm.f32 $0.0e+00  }
0xdc: {  	s25 =	simm.s32 $0x800;
	s24 =	simm.s32 $0x100;
	v20 =	vld [tilespmem:s26+$0xE1E0];
	v15 =	vimm.f32 $0.0e+00;
	v13 =	vimm.f32 $0.0e+00;
	v14 =	vimm.f32 $0.0e+00  }
.LBB2_7:
0xdd: {  	p0 =	sne.s32 s25, $0x6000;
	v21 =	vld [tilespmem:s24+$0xE1F0];
	v11 =	vadd.f32 v16, v11  }
0xde: {  	v16 =	vld [tilespmem:s24+$0xE100];
	v12 =	vadd.f32 v17, v12  }
0xdf: {  	v17 =	vld [tilespmem:s24+$0xE110];
	v15 =	vadd.f32 v18, v15  }
0xe0: {  	v18 =	vld [tilespmem:s24+$0xE120];
	v13 =	vadd.f32 v19, v13  }
0xe1: {  	v19 =	vld [tilespmem:s24+$0xE130];
	v14 =	vadd.f32 v20, v14  }
0xe2: {  	v20 =	vld [tilespmem:s24+$0xE140];
	v0 =	vadd.f32 v21, v0  }
0xe3: {  	v9 =	vadd.f32 v16, v9;
	v16 =	vld [tilespmem:s24+$0xE150]  }
0xe4: {  	v6 =	vadd.f32 v17, v6;
	v17 =	vld [tilespmem:s24+$0xE160]  }
0xe5: {  	v10 =	vadd.f32 v18, v10;
	v18 =	vld [tilespmem:s24+$0xE170]  }
0xe6: {  	v7 =	vadd.f32 v19, v7;
	v19 =	vld [tilespmem:s24+$0xE180]  }
0xe7: {  	v8 =	vadd.f32 v20, v8;
	v20 =	vld [tilespmem:s24+$0xE190]  }
.Ltmp2:
0xe8: {  	v5 =	vadd.f32 v16, v5;
	v16 =	vld [tilespmem:s24+$0xE1A0];
	(pc) =	sbr.rel @p0 .LBB2_7-.Ltmp2, $4  }
0xe9: {  	v4 =	vadd.f32 v17, v4;
	v17 =	vld [tilespmem:s24+$0xE1B0]  }
0xea: {  	v3 =	vadd.f32 v18, v3;
	v18 =	vld [tilespmem:s24+$0xE1C0]  }
0xeb: {  	v2 =	vadd.f32 v19, v2;
	v19 =	vld [tilespmem:s24+$0xE1D0]  }
0xec: {  	v1 =	vadd.f32 v20, v1;
	v20 =	vld [tilespmem:s24+$0xE1E0];
	s24 =	sshra.s32 s25, $0x2;
	s25 =	sadd.s32 $0x400, s25  }
0xed: {  	v21 =	vld [tilespmem:s24+$0xE100]  }
0xee: {  	v22 =	vld [tilespmem:s24+$0xE110]  }
0xef: {  	v23 =	vld [tilespmem:s24+$0xE120]  }
0xf0: {  	v24 =	vld [tilespmem:s24+$0xE130]  }
0xf1: {  	v11 =	vadd.f32 v16, v11;
	v49 =	vld [tilespmem:s24+$0xE140]  }
0xf2: {  	v50 =	vld [tilespmem:s24+$0xE150];
	v12 =	vadd.f32 v17, v12;
	v15 =	vadd.f32 v18, v15  }
0xf3: {  	v51 =	vld [tilespmem:s24+$0xE160];
	v13 =	vadd.f32 v19, v13;
	v14 =	vadd.f32 v20, v14  }
0xf4: {  	v52 =	vld [tilespmem:s24+$0xE170];
	v9 =	vadd.f32 v21, v9;
	v10 =	vadd.f32 v23, v10  }
0xf5: {  	v53 =	vld [tilespmem:s24+$0xE180];
	v6 =	vadd.f32 v22, v6;
	v7 =	vadd.f32 v24, v7  }
0xf6: {  	v54 =	vld [tilespmem:s24+$0xE190];
	v8 =	vadd.f32 v49, v8;
	v9 =	vadd.f32 v10, v9  }
0xf7: {  	v55 =	vld [tilespmem:s24+$0xE1A0];
	v5 =	vadd.f32 v50, v5;
	v6 =	vadd.f32 v7, v6  }
0xf8: {  	v56 =	vld [tilespmem:s24+$0xE1B0];
	v4 =	vadd.f32 v51, v4;
	v8 =	vadd.f32 v8, v9  }
0xf9: {  	v57 =	vld [tilespmem:s24+$0xE1C0];
	v3 =	vadd.f32 v52, v3;
	v5 =	vadd.f32 v5, v6  }
0xfa: {  	v58 =	vld [tilespmem:s24+$0xE1D0];
	v2 =	vadd.f32 v53, v2;
	v4 =	vadd.f32 v4, v8  }
0xfb: {  	v59 =	vld [tilespmem:s24+$0xE1E0];
	v1 =	vadd.f32 v54, v1;
	v3 =	vadd.f32 v3, v5  }
0xfc: {  	v60 =	vld [tilespmem:s24+$0xE1F0];
	v10 =	vadd.f32 v55, v11;
	v2 =	vadd.f32 v2, v4  }
0xfd: {  	v61 =	vadd.f32 v56, v12;
	v1 =	vadd.f32 v1, v3  }
0xfe: {  	v62 =	vadd.f32 v57, v15;
	v2 =	vadd.f32 v10, v2  }
0xff: {  	s22 =	sadd.s32 $0x1, s22;
	v6 =	vadd.f32 v58, v13;
	v1 =	vadd.f32 v61, v1  }
0x100: {  	p0 =	sne.s32 s22, $0x3F;
	v63 =	vadd.f32 v59, v14;
	v2 =	vadd.f32 v62, v2  }
.Ltmp3:
0x101: {  	v0 =	vadd.f32 v60, v0;
	v1 =	vadd.f32 v6, v1;
	(pc) =	sbr.rel @p0 .LBB2_4-.Ltmp3, $4  }
0x102: {  	s23 =	sshll.u32 s23, $0x5;
	v2 =	vadd.f32 v63, v2  }
0x103: {  	s23 =	sand.u32 $0x3FFFFFE0, s23;
	v0 =	vadd.f32 v0, v1  }
0x104: {  	[tilespmem:s23+$0xFA00] =	vst v2  }
0x105: {  	[tilespmem:s23+$0xFA10] =	vst v0  }
0x106: {  	[tilespmem:s14], [sflag:$0x2] =	stream.indirect.gather [hbm4b:s3+s8], $0x20, s18, s8, $0xb8;
	[tilespmem:$0x10A00] =	vst v63  }
0x107: {  	_ = 	snop  }
0x108: {  	[tilespmem:s15], [sflag:$0x2] =	stream.indirect.gather [hbm4b:s3+s11], $0x20, s19, s11, $0xb8;
	[tilespmem:$0x10A00] =	vst v63  }
0x109: {  	_ =	swait.ge [sflag:s16], $0x1000  }
0x10a: {  	[sflag:s16] =	ssyncset.done $0x0  }
0x10b: {  	[sflag:s16] =	ssyncadd.s32 $0xFFFFF000  }
0x10c: {  	_ =	swait.ge [sflag:s16], $0x900  }
0x10d: {  	[sflag:s16] =	ssyncset.done $0x0  }
0x10e: {  	s24 =	simm.s32 $0x0;
	[sflag:s16] =	ssyncadd.s32 $0xFFFFF700  }
0x10f: {  	v0 =	vld [tilespmem:s24+$0xC8F0]  }
0x110: {  	v1 =	vld [tilespmem:s24+$0xC800]  }
0x111: {  	v2 =	vld [tilespmem:s24+$0xC810]  }
0x112: {  	v3 =	vld [tilespmem:s24+$0xC820]  }
0x113: {  	v4 =	vld [tilespmem:s24+$0xC830]  }
0x114: {  	v5 =	vld [tilespmem:s24+$0xC840]  }
0x115: {  	v12 =	vld [tilespmem:s24+$0xC850]  }
0x116: {  	v13 =	vld [tilespmem:s24+$0xC860]  }
0x117: {  	v14 =	vld [tilespmem:s24+$0xC870]  }
0x118: {  	v11 =	vimm.f32 $0.0e+00;
	v15 =	vld [tilespmem:s24+$0xC880]  }
0x119: {  	v20 =	vld [tilespmem:s24+$0xC890];
	v0 =	vadd.f32 v0, v11  }
0x11a: {  	v9 =	vadd.f32 v1, v11;
	v6 =	vadd.f32 v2, v11  }
0x11b: {  	v16 =	vld [tilespmem:s24+$0xC8A0];
	v10 =	vadd.f32 v3, v11;
	v7 =	vadd.f32 v4, v11  }
0x11c: {  	v17 =	vld [tilespmem:s24+$0xC8B0];
	v8 =	vadd.f32 v5, v11;
	v5 =	vadd.f32 v12, v11  }
0x11d: {  	v18 =	vld [tilespmem:s24+$0xC8C0];
	v4 =	vadd.f32 v13, v11;
	v3 =	vadd.f32 v14, v11  }
0x11e: {  	v19 =	vld [tilespmem:s24+$0xC8D0];
	v2 =	vadd.f32 v15, v11;
	v1 =	vadd.f32 v20, v11;
	v12 =	vimm.f32 $0.0e+00  }
0x11f: {  	s22 =	simm.s32 $0x100;
	s23 =	simm.s32 $0x800;
	v20 =	vld [tilespmem:s24+$0xC8E0];
	v15 =	vimm.f32 $0.0e+00;
	v13 =	vimm.f32 $0.0e+00;
	v14 =	vimm.f32 $0.0e+00  }
.LBB2_10:
0x120: {  	p0 =	sne.s32 s23, $0x6000;
	v21 =	vld [tilespmem:s22+$0xC8F0];
	v11 =	vadd.f32 v16, v11  }
0x121: {  	v16 =	vld [tilespmem:s22+$0xC800];
	v12 =	vadd.f32 v17, v12  }
0x122: {  	v17 =	vld [tilespmem:s22+$0xC810];
	v15 =	vadd.f32 v18, v15  }
0x123: {  	v18 =	vld [tilespmem:s22+$0xC820];
	v13 =	vadd.f32 v19, v13  }
0x124: {  	v19 =	vld [tilespmem:s22+$0xC830];
	v14 =	vadd.f32 v20, v14  }
0x125: {  	v20 =	vld [tilespmem:s22+$0xC840];
	v0 =	vadd.f32 v21, v0  }
0x126: {  	v9 =	vadd.f32 v16, v9;
	v16 =	vld [tilespmem:s22+$0xC850]  }
0x127: {  	v6 =	vadd.f32 v17, v6;
	v17 =	vld [tilespmem:s22+$0xC860]  }
0x128: {  	v10 =	vadd.f32 v18, v10;
	v18 =	vld [tilespmem:s22+$0xC870]  }
0x129: {  	v7 =	vadd.f32 v19, v7;
	v19 =	vld [tilespmem:s22+$0xC880]  }
0x12a: {  	v8 =	vadd.f32 v20, v8;
	v20 =	vld [tilespmem:s22+$0xC890]  }
.Ltmp4:
0x12b: {  	v5 =	vadd.f32 v16, v5;
	v16 =	vld [tilespmem:s22+$0xC8A0];
	(pc) =	sbr.rel @p0 .LBB2_10-.Ltmp4, $4  }
0x12c: {  	v4 =	vadd.f32 v17, v4;
	v17 =	vld [tilespmem:s22+$0xC8B0]  }
0x12d: {  	v3 =	vadd.f32 v18, v3;
	v18 =	vld [tilespmem:s22+$0xC8C0]  }
0x12e: {  	v2 =	vadd.f32 v19, v2;
	v19 =	vld [tilespmem:s22+$0xC8D0]  }
0x12f: {  	v1 =	vadd.f32 v20, v1;
	v20 =	vld [tilespmem:s22+$0xC8E0];
	s22 =	sshra.s32 s23, $0x2;
	s23 =	sadd.s32 $0x400, s23  }
0x130: {  	v21 =	vld [tilespmem:s22+$0xC800]  }
0x131: {  	v22 =	vld [tilespmem:s22+$0xC810]  }
0x132: {  	v23 =	vld [tilespmem:s22+$0xC820]  }
0x133: {  	v24 =	vld [tilespmem:s22+$0xC830]  }
0x134: {  	v11 =	vadd.f32 v16, v11;
	v16 =	vld [tilespmem:s22+$0xC840]  }
0x135: {  	v12 =	vadd.f32 v17, v12;
	v17 =	vld [tilespmem:s22+$0xC850];
	v15 =	vadd.f32 v18, v15  }
0x136: {  	v18 =	vld [tilespmem:s22+$0xC860];
	v13 =	vadd.f32 v19, v13;
	v14 =	vadd.f32 v20, v14  }
0x137: {  	v19 =	vld [tilespmem:s22+$0xC870];
	v9 =	vadd.f32 v21, v9;
	v10 =	vadd.f32 v23, v10  }
0x138: {  	v20 =	vld [tilespmem:s22+$0xC880];
	v6 =	vadd.f32 v22, v6;
	v7 =	vadd.f32 v24, v7  }
0x139: {  	v8 =	vadd.f32 v16, v8;
	v16 =	vld [tilespmem:s22+$0xC890];
	v9 =	vadd.f32 v10, v9  }
0x13a: {  	v5 =	vadd.f32 v17, v5;
	v10 =	vld [tilespmem:s22+$0xC8A0];
	v6 =	vadd.f32 v7, v6  }
0x13b: {  	v4 =	vadd.f32 v18, v4;
	v7 =	vld [tilespmem:s22+$0xC8B0];
	v8 =	vadd.f32 v8, v9  }
0x13c: {  	v3 =	vadd.f32 v19, v3;
	v9 =	vld [tilespmem:s22+$0xC8C0];
	v5 =	vadd.f32 v5, v6  }
0x13d: {  	v2 =	vadd.f32 v20, v2;
	v6 =	vld [tilespmem:s22+$0xC8D0];
	v4 =	vadd.f32 v4, v8  }
0x13e: {  	v1 =	vadd.f32 v16, v1;
	v8 =	vld [tilespmem:s22+$0xC8E0];
	v3 =	vadd.f32 v3, v5  }
0x13f: {  	v5 =	vld [tilespmem:s22+$0xC8F0];
	v10 =	vadd.f32 v10, v11;
	v2 =	vadd.f32 v2, v4  }
0x140: {  	v4 =	vadd.f32 v7, v12;
	v1 =	vadd.f32 v1, v3  }
0x141: {  	v3 =	vadd.f32 v9, v15;
	v2 =	vadd.f32 v10, v2  }
0x142: {  	v6 =	vadd.f32 v6, v13;
	v1 =	vadd.f32 v4, v1  }
0x143: {  	v4 =	vadd.f32 v8, v14;
	v2 =	vadd.f32 v3, v2  }
0x144: {  	v0 =	vadd.f32 v5, v0;
	v1 =	vadd.f32 v6, v1  }
0x145: {  	v2 =	vadd.f32 v4, v2  }
0x146: {  	v0 =	vadd.f32 v0, v1  }
0x147: {  	[tilespmem:$0x109C0] =	vst v2  }
0x148: {  	[tilespmem:$0x109D0] =	vst v0  }
0x149: {  	_ =	swait.ge [sflag:s17], $0x1000  }
0x14a: {  	[sflag:s17] =	ssyncset.done $0x0  }
0x14b: {  	[sflag:s17] =	ssyncadd.s32 $0xFFFFF000  }
0x14c: {  	_ =	swait.ge [sflag:s17], $0x900  }
0x14d: {  	[sflag:s17] =	ssyncset.done $0x0  }
0x14e: {  	s24 =	simm.s32 $0x0;
	[sflag:s17] =	ssyncadd.s32 $0xFFFFF700  }
0x14f: {  	v0 =	vld [tilespmem:s24+$0xE1F0]  }
0x150: {  	v1 =	vld [tilespmem:s24+$0xE100]  }
0x151: {  	v2 =	vld [tilespmem:s24+$0xE110]  }
0x152: {  	v3 =	vld [tilespmem:s24+$0xE120]  }
0x153: {  	v4 =	vld [tilespmem:s24+$0xE130]  }
0x154: {  	v5 =	vld [tilespmem:s24+$0xE140]  }
0x155: {  	v12 =	vld [tilespmem:s24+$0xE150]  }
0x156: {  	v13 =	vld [tilespmem:s24+$0xE160]  }
0x157: {  	v14 =	vld [tilespmem:s24+$0xE170]  }
0x158: {  	v11 =	vimm.f32 $0.0e+00;
	v15 =	vld [tilespmem:s24+$0xE180]  }
0x159: {  	v20 =	vld [tilespmem:s24+$0xE190];
	v0 =	vadd.f32 v0, v11  }
0x15a: {  	v9 =	vadd.f32 v1, v11;
	v6 =	vadd.f32 v2, v11  }
0x15b: {  	v16 =	vld [tilespmem:s24+$0xE1A0];
	v10 =	vadd.f32 v3, v11;
	v7 =	vadd.f32 v4, v11  }
0x15c: {  	v17 =	vld [tilespmem:s24+$0xE1B0];
	v8 =	vadd.f32 v5, v11;
	v5 =	vadd.f32 v12, v11  }
0x15d: {  	v18 =	vld [tilespmem:s24+$0xE1C0];
	v4 =	vadd.f32 v13, v11;
	v3 =	vadd.f32 v14, v11  }
0x15e: {  	v19 =	vld [tilespmem:s24+$0xE1D0];
	v2 =	vadd.f32 v15, v11;
	v1 =	vadd.f32 v20, v11;
	v12 =	vimm.f32 $0.0e+00  }
0x15f: {  	s23 =	simm.s32 $0x800;
	s22 =	simm.s32 $0x100;
	v20 =	vld [tilespmem:s24+$0xE1E0];
	v15 =	vimm.f32 $0.0e+00;
	v13 =	vimm.f32 $0.0e+00;
	v14 =	vimm.f32 $0.0e+00  }
.LBB2_12:
0x160: {  	p0 =	sne.s32 s23, $0x6000;
	v21 =	vld [tilespmem:s22+$0xE1F0];
	v11 =	vadd.f32 v16, v11  }
0x161: {  	v16 =	vld [tilespmem:s22+$0xE100];
	v12 =	vadd.f32 v17, v12  }
0x162: {  	v17 =	vld [tilespmem:s22+$0xE110];
	v15 =	vadd.f32 v18, v15  }
0x163: {  	v18 =	vld [tilespmem:s22+$0xE120];
	v13 =	vadd.f32 v19, v13  }
0x164: {  	v19 =	vld [tilespmem:s22+$0xE130];
	v14 =	vadd.f32 v20, v14  }
0x165: {  	v20 =	vld [tilespmem:s22+$0xE140];
	v0 =	vadd.f32 v21, v0  }
0x166: {  	v9 =	vadd.f32 v16, v9;
	v16 =	vld [tilespmem:s22+$0xE150]  }
0x167: {  	v6 =	vadd.f32 v17, v6;
	v17 =	vld [tilespmem:s22+$0xE160]  }
0x168: {  	v10 =	vadd.f32 v18, v10;
	v18 =	vld [tilespmem:s22+$0xE170]  }
0x169: {  	v7 =	vadd.f32 v19, v7;
	v19 =	vld [tilespmem:s22+$0xE180]  }
0x16a: {  	v8 =	vadd.f32 v20, v8;
	v20 =	vld [tilespmem:s22+$0xE190]  }
.Ltmp5:
0x16b: {  	v5 =	vadd.f32 v16, v5;
	v16 =	vld [tilespmem:s22+$0xE1A0];
	(pc) =	sbr.rel @p0 .LBB2_12-.Ltmp5, $4  }
0x16c: {  	v4 =	vadd.f32 v17, v4;
	v17 =	vld [tilespmem:s22+$0xE1B0]  }
0x16d: {  	v3 =	vadd.f32 v18, v3;
	v18 =	vld [tilespmem:s22+$0xE1C0]  }
0x16e: {  	v2 =	vadd.f32 v19, v2;
	v19 =	vld [tilespmem:s22+$0xE1D0]  }
0x16f: {  	v1 =	vadd.f32 v20, v1;
	v20 =	vld [tilespmem:s22+$0xE1E0];
	s22 =	sshra.s32 s23, $0x2;
	s23 =	sadd.s32 $0x400, s23  }
0x170: {  	v21 =	vld [tilespmem:s22+$0xE100]  }
0x171: {  	v22 =	vld [tilespmem:s22+$0xE110]  }
0x172: {  	v23 =	vld [tilespmem:s22+$0xE120]  }
0x173: {  	v24 =	vld [tilespmem:s22+$0xE130]  }
0x174: {  	v11 =	vadd.f32 v16, v11;
	v49 =	vld [tilespmem:s22+$0xE140]  }
0x175: {  	v50 =	vld [tilespmem:s22+$0xE150];
	v12 =	vadd.f32 v17, v12;
	v15 =	vadd.f32 v18, v15  }
0x176: {  	v51 =	vld [tilespmem:s22+$0xE160];
	v13 =	vadd.f32 v19, v13;
	v14 =	vadd.f32 v20, v14  }
0x177: {  	v52 =	vld [tilespmem:s22+$0xE170];
	v9 =	vadd.f32 v21, v9;
	v10 =	vadd.f32 v23, v10  }
0x178: {  	v53 =	vld [tilespmem:s22+$0xE180];
	v6 =	vadd.f32 v22, v6;
	v7 =	vadd.f32 v24, v7  }
0x179: {  	v54 =	vld [tilespmem:s22+$0xE190];
	v8 =	vadd.f32 v49, v8;
	v9 =	vadd.f32 v10, v9  }
0x17a: {  	v55 =	vld [tilespmem:s22+$0xE1A0];
	v5 =	vadd.f32 v50, v5;
	v6 =	vadd.f32 v7, v6  }
0x17b: {  	v56 =	vld [tilespmem:s22+$0xE1B0];
	v4 =	vadd.f32 v51, v4;
	v8 =	vadd.f32 v8, v9  }
0x17c: {  	v57 =	vld [tilespmem:s22+$0xE1C0];
	v3 =	vadd.f32 v52, v3;
	v5 =	vadd.f32 v5, v6  }
0x17d: {  	v58 =	vld [tilespmem:s22+$0xE1D0];
	v2 =	vadd.f32 v53, v2;
	v4 =	vadd.f32 v4, v8  }
0x17e: {  	v59 =	vld [tilespmem:s22+$0xE1E0];
	v1 =	vadd.f32 v54, v1;
	v3 =	vadd.f32 v3, v5  }
0x17f: {  	v60 =	vld [tilespmem:s22+$0xE1F0];
	v10 =	vadd.f32 v55, v11;
	v2 =	vadd.f32 v2, v4  }
0x180: {  	v61 =	vadd.f32 v56, v12;
	v1 =	vadd.f32 v1, v3  }
0x181: {  	v62 =	vadd.f32 v57, v15;
	v2 =	vadd.f32 v10, v2  }
0x182: {  	v6 =	vadd.f32 v58, v13;
	v1 =	vadd.f32 v61, v1  }
0x183: {  	v63 =	vadd.f32 v59, v14;
	v2 =	vadd.f32 v62, v2  }
0x184: {  	v0 =	vadd.f32 v60, v0;
	v1 =	vadd.f32 v6, v1  }
0x185: {  	v2 =	vadd.f32 v63, v2  }
0x186: {  	s21 =	sadd.s32 $0x1, s21;
	v0 =	vadd.f32 v0, v1  }
0x187: {  	p0 =	sne.s32 s21, s6;
	[tilespmem:$0x109E0] =	vst v2  }
.Ltmp6:
0x188: {  	[tilespmem:$0x109F0] =	vst v0;
	(pc) =	sbr.rel @p0 .LBB2_1-.Ltmp6, $4  }
0x189: {  	[hbm4b:s5+s2] =	stream.linear.scatter [tilespmem:s20], [sflag:$0x3], $0x1000, $0x38;
	[tilespmem:$0x10A00] =	vst v63  }
0x18a: {  	_ =	swait.ge [sflag:s7], $0x1000  }
0x18b: {  	[sflag:s7] =	ssyncset.done $0x0  }
0x18c: {  	[sflag:s7] =	ssyncadd.s32 $0xFFFFF000  }
0x18d: {  	_ =	sfence.sel $0x180000  }
0x18e: {  	[bflag:$0x0] =	sbarrier.arrive $0xFFFF  }
0x18f: {  	p0 =	sne.s32 s0, $0x0;
	_ =	strace $0x90000047  }
0x190: {  	s0 =	sadd.s32 @!p0 $0x100000, s1;
	[bflag:$0x2] =	sbarrier.arrive $0xFFFF  }
0x191: {  	[sflag:s0] =	ssyncadd.tile.s32 @!p0 $0x1;
	_ =	shalt  }
.Lfunc_end2:
_tile_overlayer_lowered:
.L_overlay_start_2:
0x192: {  	(tag) =	ssettag $0x2  }
0x193: {  	s0 =	rddreg [dreg:$0x0];
	s2 =	stileid.u32  }
0x194: {  	s1 =	rddreg [dreg:$0x1];
	p0 =	sne.s32 s2, $0x0  }
0x195: {  	s3 =	rddreg [dreg:$0x2];
	[bflag:$0x3] =	sbarrier.arrive $0xFFFF;
	s2 =	simm.s32 @!p0 $0x1C03  }
0x196: {  	[timem:s3], [sflag:s2] =	dma.local @!p0 [hbm:s0], s1  }
0x197: {  	s0 =	simm.s32 @!p0 $0x3  }
0x198: {  	_ =	swait.ge @!p0 [sflag:s0], s1  }
0x199: {  	s1 =	ssub.s32 @!p0 $0x0, s1;
	[sflag:s0] =	ssyncset.done @!p0 $0x0  }
0x19a: {  	[sflag:s0] =	ssyncadd.s32 @!p0 s1  }
0x19b: {  	[bflag:$0x3] =	sbarrier.arrive $0xFFFF  }
0x19c: {  	_ =	shalt  }

</sc_bundles>
